<compile_context>
chip_gen: v7x
topology: tpu7x:2x2x1
jax: 0.10.2.dev20260603
libtpu: 0.0.44.dev20260713+nightly
codegen_flags: <defaults>
</compile_context>

<pallas_src>
import math

import jax
import jax.numpy as jnp
from jax import lax
from jax.experimental import pallas as pl
from jax.experimental.pallas import tpu as pltpu
from jax.experimental.pallas import tpu_sc as plsc

N_NODES = 10000
N_EDGES = 320000
D_FEAT = 128
_FACTOR = 1.0 / math.sqrt(32.0)

_NC = 2
_NS = 16
_EPW = N_EDGES // (_NC * _NS)
_CHUNK = 80
_NITER = _EPW // _CHUNK
_ROWS_PER_SUB = 624
_TAIL_ROW = _NS * _ROWS_PER_SUB
_TAIL = N_NODES - _TAIL_ROW
_NBUF = 3
_NMAIN = _NITER // _NBUF
_ZROWS = 16


def _gather(feat_hbm, rows_v, gsem, ebase, j, b):
    return pltpu.async_copy(
        feat_hbm.at[pl.ds(ebase + j * _CHUNK, _CHUNK)], rows_v.at[b],
        gsem.at[b],
    )


def _sc_body(feat_hbm, dst_hbm, part_hbm, idx_v, rows_v, zero_v, acc_sh,
             gsem, ssem, zsem, isem):
    c = lax.axis_index("c")
    s = lax.axis_index("s")
    wid = c * _NS + s
    ebase = wid * _EPW

    for b in range(_NBUF):
        _gather(feat_hbm, rows_v, gsem, ebase, b, b)
    idx_cp = pltpu.async_copy(dst_hbm.at[0].at[wid], idx_v, isem)

    zvec = jnp.zeros((16,), jnp.float32)

    @pl.loop(0, _ZROWS)
    def _(i):
        @pl.loop(0, D_FEAT, step=16)
        def _(j):
            zero_v.at[i, pl.ds(j, 16)][...] = zvec

    base_row = s * _ROWS_PER_SUB

    @pl.loop(0, _ROWS_PER_SUB, step=_ZROWS)
    def _(r):
        pltpu.async_copy(
            zero_v, acc_sh.at[pl.ds(base_row + r, _ZROWS)], zsem
        )

    @pl.when(s == _NS - 1)
    def _():
        pltpu.async_copy(
            zero_v.at[pl.ds(0, _TAIL)], acc_sh.at[pl.ds(_TAIL_ROW, _TAIL)],
            zsem,
        )

    @pl.loop(0, _ROWS_PER_SUB, step=_ZROWS)
    def _(r):
        pltpu.make_async_copy(
            zero_v, acc_sh.at[pl.ds(base_row + r, _ZROWS)], zsem
        ).wait()

    @pl.when(s == _NS - 1)
    def _():
        pltpu.make_async_copy(
            zero_v.at[pl.ds(0, _TAIL)], acc_sh.at[pl.ds(_TAIL_ROW, _TAIL)],
            zsem,
        ).wait()

    idx_cp.wait()
    plsc.subcore_barrier()


    @pl.loop(0, _NMAIN)
    def _(g):
        for b in range(_NBUF):
            j = g * _NBUF + b
            pltpu.make_async_copy(
                feat_hbm.at[pl.ds(ebase + j * _CHUNK, _CHUNK)],
                rows_v.at[b],
                gsem.at[b],
            ).wait()
            pltpu.async_copy(
                rows_v.at[b], acc_sh.at[idx_v.at[j]], ssem.at[b], add=True
            )
        for b in range(_NBUF):
            j = g * _NBUF + b
            pltpu.make_async_copy(
                rows_v.at[b], acc_sh.at[idx_v.at[j]], ssem.at[b]
            ).wait()

            @pl.when(j + _NBUF < _NITER)
            def _():
                _gather(feat_hbm, rows_v, gsem, ebase, j + _NBUF, b)

    tail = []
    for j in range(_NMAIN * _NBUF, _NITER):
        b = j - _NMAIN * _NBUF
        pltpu.make_async_copy(
            feat_hbm.at[pl.ds(ebase + j * _CHUNK, _CHUNK)],
            rows_v.at[b],
            gsem.at[b],
        ).wait()
        tail.append(
            pltpu.async_copy(
                rows_v.at[b], acc_sh.at[idx_v.at[j]], ssem.at[b], add=True
            )
        )
    for d in tail:
        d.wait()

    plsc.subcore_barrier()

    out_row = c * N_NODES + base_row
    pltpu.sync_copy(
        acc_sh.at[pl.ds(base_row, _ROWS_PER_SUB)],
        part_hbm.at[pl.ds(out_row, _ROWS_PER_SUB)],
    )

    @pl.when(s == _NS - 1)
    def _():
        pltpu.sync_copy(
            acc_sh.at[pl.ds(_TAIL_ROW, _TAIL)],
            part_hbm.at[pl.ds(c * N_NODES + _TAIL_ROW, _TAIL)],
        )


def _combine_body(p_ref, o_ref):
    o_ref[...] = (p_ref[0] + p_ref[1]) * _FACTOR


def kernel(edge_feat, edge_index, pos):
    edge_dst = edge_index.reshape(2, _NC * _NS, _NITER, _CHUNK)

    mesh = plsc.VectorSubcoreMesh(core_axis_name="c", subcore_axis_name="s")
    sc_scatter = pl.kernel(
        _sc_body,
        out_type=jax.ShapeDtypeStruct((_NC * N_NODES, D_FEAT), jnp.float32),
        mesh=mesh,
        scratch_types=[
            pltpu.VMEM((_NITER, _CHUNK), jnp.int32),
            pltpu.VMEM((_NBUF, _CHUNK, D_FEAT), jnp.float32),
            pltpu.VMEM((_ZROWS, D_FEAT), jnp.float32),
            pltpu.VMEM_SHARED((N_NODES, D_FEAT), jnp.float32),
            pltpu.SemaphoreType.DMA((_NBUF,)),
            pltpu.SemaphoreType.DMA((_NBUF,)),
            pltpu.SemaphoreType.DMA,
            pltpu.SemaphoreType.DMA,
        ],
    )
    partials = sc_scatter(edge_feat, edge_dst)

    rows_blk = 2000
    out = pl.pallas_call(
        _combine_body,
        out_shape=jax.ShapeDtypeStruct((N_NODES, D_FEAT), jnp.float32),
        grid=(N_NODES // rows_blk,),
        in_specs=[
            pl.BlockSpec((_NC, rows_blk, D_FEAT), lambda i: (0, i, 0)),
        ],
        out_specs=pl.BlockSpec((rows_blk, D_FEAT), lambda i: (i, 0)),
    )(partials.reshape(_NC, N_NODES, D_FEAT))
    return out

# --- scband reference (transcript-rebuilt; emitter-appended) ---
"""Pipeline reference for scband-edgewise-reduce-7584912245351 (READ-ONLY COPY).

The authoritative reference and input builder live on the scoring server;
editing this copy changes nothing except your own understanding.
"""

import jax, jax.numpy as jnp
import numpy as np
import math

N_NODES = 10000
N_EDGES = 320000
D_FEAT = 128
AVG_NUM_NEIGHBORS = 32.0


def setup_inputs(seed: int = 0) -> dict:
    key = jax.random.key(seed)
    k1, k2, k3 = jax.random.split(key, 3)
    edge_feat = jax.random.normal(k1, (N_EDGES, D_FEAT), dtype=jnp.float32)
    edge_index = jax.random.randint(k2, (2, N_EDGES), 0, N_NODES)
    pos = jax.random.normal(k3, (N_NODES, 3), dtype=jnp.float32)
    return {"edge_feat": edge_feat, "edge_index": edge_index, "pos": pos}


def reference(edge_feat, edge_index, pos):
    # EdgewiseReduce.forward: scatter-sum per-edge features into per-node features
    edge_dst = edge_index[0]
    out = jax.ops.segment_sum(edge_feat, edge_dst, num_segments=pos.shape[0])
    # normalize_edge_reduce=True with avg_num_neighbors -> factor = 1/sqrt(avg_num_neighbors)
    factor = 1.0 / math.sqrt(AVG_NUM_NEIGHBORS)
    out = out * factor
    return out

if __name__ == "__main__":
    import jax
    _d = setup_inputs()
    print(jax.jit(kernel)(*tuple(_d.values())))

</pallas_src>

<mosaic_0001>
#map = affine_map<(d0, d1) -> (0, 0)>
#map1 = affine_map<(d0, d1) -> (0, 0, 0, 0)>
module attributes {stable_mosaic.version = 14 : i64} {
  func.func @_sc_body(%arg0: i32, %arg1: i32, %arg2: memref<320000x128xf32, #tpu.memory_space<hbm>>, %arg3: memref<2x32x125x80xi32, #tpu.memory_space<hbm>>, %arg4: memref<20000x128xf32, #tpu.memory_space<hbm>>, %arg5: memref<125x80xi32, #tpu.memory_space<vmem>>, %arg6: memref<3x80x128xf32, #tpu.memory_space<vmem>>, %arg7: memref<16x128xf32, #tpu.memory_space<vmem>>, %arg8: memref<10000x128xf32, #tpu.memory_space<vmem_shared>>, %arg9: memref<3x!tpu.dma_semaphore, #tpu.memory_space<semaphore_mem>>, %arg10: memref<3x!tpu.dma_semaphore, #tpu.memory_space<semaphore_mem>>, %arg11: memref<!tpu.dma_semaphore, #tpu.memory_space<semaphore_mem>>, %arg12: memref<!tpu.dma_semaphore, #tpu.memory_space<semaphore_mem>>) attributes {dimension_semantics = [#tpu.dimension_semantics<core_parallel>, #tpu.dimension_semantics<subcore_parallel>], iteration_bounds = array<i64: 2, 16>, scalar_prefetch = 0 : i64, scratch_operands = 8 : i64, tpu.core_type = #tpu.core_type<sc_vector_subcore>, window_params = [{transform_indices = #map}, {transform_indices = #map1}, {transform_indices = #map}]} {
    %mul3A = arith.constant 16 : i32
    %mul3A_0 = arith.muli %arg0, %mul3A : i32
    %add3A = arith.addi %mul3A_0, %arg1 : i32
    %mul3A_1 = arith.constant 10000 : i32
    %mul3A_2 = arith.muli %add3A, %mul3A_1 : i32
    %add3A_3 = arith.constant 0 : i32
    %add3A_4 = arith.addi %mul3A_2, %add3A_3 : i32
    %dma_start3A = arith.constant 0 : i32
    %dma_start3A_5 = arith.constant 0 : i32
    %dma_start3A_6 = arith.constant 0 : i32
    %dma_start3A_7 = arith.constant 0 : i32
    %dma_start3A_8 = tpu.memref_slice %arg6[%dma_start3A, %dma_start3A_6, %dma_start3A_7] : memref<3x80x128xf32, #tpu.memory_space<vmem>> -> memref<1x80x128xf32, #tpu.memory_space<vmem>>
    %dma_start3A_9 = tpu.memref_squeeze %dma_start3A_8 : memref<1x80x128xf32, #tpu.memory_space<vmem>> -> memref<80x128xf32, #tpu.memory_space<vmem>>
    %dma_start3A_10 = arith.constant 0 : i32
    %dma_start3A_11 = tpu.memref_slice %arg2[%add3A_4, %dma_start3A_10] : memref<320000x128xf32, #tpu.memory_space<hbm>> -> memref<80x128xf32, #tpu.memory_space<hbm>>
    %dma_start3A_12 = tpu.memref_slice %arg9[%dma_start3A_5] : memref<3x!tpu.dma_semaphore, #tpu.memory_space<semaphore_mem>> -> memref<1x!tpu.dma_semaphore, #tpu.memory_space<semaphore_mem>>
    %dma_start3A_13 = tpu.memref_squeeze %dma_start3A_12 : memref<1x!tpu.dma_semaphore, #tpu.memory_space<semaphore_mem>> -> memref<!tpu.dma_semaphore, #tpu.memory_space<semaphore_mem>>
    %dma_start3A_14 = arith.constant 0 : i32
    %dma_start3A_15 = arith.constant 0 : i32
    %dma_start3A_16 = tpu.memref_slice %arg6[%dma_start3A, %dma_start3A_14, %dma_start3A_15] : memref<3x80x128xf32, #tpu.memory_space<vmem>> -> memref<1x80x128xf32, #tpu.memory_space<vmem>>
    %dma_start3A_17 = tpu.memref_squeeze %dma_start3A_16 : memref<1x80x128xf32, #tpu.memory_space<vmem>> -> memref<80x128xf32, #tpu.memory_space<vmem>>
    %dma_start3A_18 = arith.constant 0 : i32
    %dma_start3A_19 = tpu.memref_slice %arg2[%add3A_4, %dma_start3A_18] : memref<320000x128xf32, #tpu.memory_space<hbm>> -> memref<80x128xf32, #tpu.memory_space<hbm>>
    tpu.enqueue_dma source(%dma_start3A_19 : memref<80x128xf32, #tpu.memory_space<hbm>>) target(%dma_start3A_17 : memref<80x128xf32, #tpu.memory_space<vmem>>) target_semaphore(%dma_start3A_13 : memref<!tpu.dma_semaphore, #tpu.memory_space<semaphore_mem>>)
    %add3A_20 = arith.constant 80 : i32
    %add3A_21 = arith.addi %mul3A_2, %add3A_20 : i32
    %dma_start3A_22 = arith.constant 1 : i32
    %dma_start3A_23 = arith.constant 1 : i32
    %dma_start3A_24 = arith.constant 0 : i32
    %dma_start3A_25 = arith.constant 0 : i32
    %dma_start3A_26 = tpu.memref_slice %arg6[%dma_start3A_22, %dma_start3A_24, %dma_start3A_25] : memref<3x80x128xf32, #tpu.memory_space<vmem>> -> memref<1x80x128xf32, #tpu.memory_space<vmem>>
    %dma_start3A_27 = tpu.memref_squeeze %dma_start3A_26 : memref<1x80x128xf32, #tpu.memory_space<vmem>> -> memref<80x128xf32, #tpu.memory_space<vmem>>
    %dma_start3A_28 = arith.constant 0 : i32
    %dma_start3A_29 = tpu.memref_slice %arg2[%add3A_21, %dma_start3A_28] : memref<320000x128xf32, #tpu.memory_space<hbm>> -> memref<80x128xf32, #tpu.memory_space<hbm>>
    %dma_start3A_30 = tpu.memref_slice %arg9[%dma_start3A_23] : memref<3x!tpu.dma_semaphore, #tpu.memory_space<semaphore_mem>> -> memref<1x!tpu.dma_semaphore, #tpu.memory_space<semaphore_mem>>
    %dma_start3A_31 = tpu.memref_squeeze %dma_start3A_30 : memref<1x!tpu.dma_semaphore, #tpu.memory_space<semaphore_mem>> -> memref<!tpu.dma_semaphore, #tpu.memory_space<semaphore_mem>>
    %dma_start3A_32 = arith.constant 0 : i32
    %dma_start3A_33 = arith.constant 0 : i32
    %dma_start3A_34 = tpu.memref_slice %arg6[%dma_start3A_22, %dma_start3A_32, %dma_start3A_33] : memref<3x80x128xf32, #tpu.memory_space<vmem>> -> memref<1x80x128xf32, #tpu.memory_space<vmem>>
    %dma_start3A_35 = tpu.memref_squeeze %dma_start3A_34 : memref<1x80x128xf32, #tpu.memory_space<vmem>> -> memref<80x128xf32, #tpu.memory_space<vmem>>
    %dma_start3A_36 = arith.constant 0 : i32
    %dma_start3A_37 = tpu.memref_slice %arg2[%add3A_21, %dma_start3A_36] : memref<320000x128xf32, #tpu.memory_space<hbm>> -> memref<80x128xf32, #tpu.memory_space<hbm>>
    tpu.enqueue_dma source(%dma_start3A_37 : memref<80x128xf32, #tpu.memory_space<hbm>>) target(%dma_start3A_35 : memref<80x128xf32, #tpu.memory_space<vmem>>) target_semaphore(%dma_start3A_31 : memref<!tpu.dma_semaphore, #tpu.memory_space<semaphore_mem>>)
    %add3A_38 = arith.constant 160 : i32
    %add3A_39 = arith.addi %mul3A_2, %add3A_38 : i32
    %dma_start3A_40 = arith.constant 2 : i32
    %dma_start3A_41 = arith.constant 2 : i32
    %dma_start3A_42 = arith.constant 0 : i32
    %dma_start3A_43 = arith.constant 0 : i32
    %dma_start3A_44 = tpu.memref_slice %arg6[%dma_start3A_40, %dma_start3A_42, %dma_start3A_43] : memref<3x80x128xf32, #tpu.memory_space<vmem>> -> memref<1x80x128xf32, #tpu.memory_space<vmem>>
    %dma_start3A_45 = tpu.memref_squeeze %dma_start3A_44 : memref<1x80x128xf32, #tpu.memory_space<vmem>> -> memref<80x128xf32, #tpu.memory_space<vmem>>
    %dma_start3A_46 = arith.constant 0 : i32
    %dma_start3A_47 = tpu.memref_slice %arg2[%add3A_39, %dma_start3A_46] : memref<320000x128xf32, #tpu.memory_space<hbm>> -> memref<80x128xf32, #tpu.memory_space<hbm>>
    %dma_start3A_48 = tpu.memref_slice %arg9[%dma_start3A_41] : memref<3x!tpu.dma_semaphore, #tpu.memory_space<semaphore_mem>> -> memref<1x!tpu.dma_semaphore, #tpu.memory_space<semaphore_mem>>
    %dma_start3A_49 = tpu.memref_squeeze %dma_start3A_48 : memref<1x!tpu.dma_semaphore, #tpu.memory_space<semaphore_mem>> -> memref<!tpu.dma_semaphore, #tpu.memory_space<semaphore_mem>>
    %dma_start3A_50 = arith.constant 0 : i32
    %dma_start3A_51 = arith.constant 0 : i32
    %dma_start3A_52 = tpu.memref_slice %arg6[%dma_start3A_40, %dma_start3A_50, %dma_start3A_51] : memref<3x80x128xf32, #tpu.memory_space<vmem>> -> memref<1x80x128xf32, #tpu.memory_space<vmem>>
    %dma_start3A_53 = tpu.memref_squeeze %dma_start3A_52 : memref<1x80x128xf32, #tpu.memory_space<vmem>> -> memref<80x128xf32, #tpu.memory_space<vmem>>
    %dma_start3A_54 = arith.constant 0 : i32
    %dma_start3A_55 = tpu.memref_slice %arg2[%add3A_39, %dma_start3A_54] : memref<320000x128xf32, #tpu.memory_space<hbm>> -> memref<80x128xf32, #tpu.memory_space<hbm>>
    tpu.enqueue_dma source(%dma_start3A_55 : memref<80x128xf32, #tpu.memory_space<hbm>>) target(%dma_start3A_53 : memref<80x128xf32, #tpu.memory_space<vmem>>) target_semaphore(%dma_start3A_49 : memref<!tpu.dma_semaphore, #tpu.memory_space<semaphore_mem>>)
    %dma_start3A_56 = arith.constant 0 : i32
    %dma_start3A_57 = arith.constant 0 : i32
    %dma_start3A_58 = arith.constant 0 : i32
    %dma_start3A_59 = arith.constant 0 : i32
    %dma_start3A_60 = tpu.memref_slice %arg3[%dma_start3A_56, %dma_start3A_57, %dma_start3A_58, %dma_start3A_59] : memref<2x32x125x80xi32, #tpu.memory_space<hbm>> -> memref<1x32x125x80xi32, #tpu.memory_space<hbm>>
    %dma_start3A_61 = tpu.memref_squeeze %dma_start3A_60 : memref<1x32x125x80xi32, #tpu.memory_space<hbm>> -> memref<32x125x80xi32, #tpu.memory_space<hbm>>
    %dma_start3A_62 = arith.constant 0 : i32
    %dma_start3A_63 = arith.constant 0 : i32
    %dma_start3A_64 = tpu.memref_slice %dma_start3A_61[%add3A, %dma_start3A_62, %dma_start3A_63] : memref<32x125x80xi32, #tpu.memory_space<hbm>> -> memref<1x125x80xi32, #tpu.memory_space<hbm>>
    %dma_start3A_65 = tpu.memref_squeeze %dma_start3A_64 : memref<1x125x80xi32, #tpu.memory_space<hbm>> -> memref<125x80xi32, #tpu.memory_space<hbm>>
    %dma_start3A_66 = arith.constant 0 : i32
    %dma_start3A_67 = arith.constant 0 : i32
    %dma_start3A_68 = arith.constant 0 : i32
    %dma_start3A_69 = tpu.memref_slice %arg3[%dma_start3A_56, %dma_start3A_66, %dma_start3A_67, %dma_start3A_68] : memref<2x32x125x80xi32, #tpu.memory_space<hbm>> -> memref<1x32x125x80xi32, #tpu.memory_space<hbm>>
    %dma_start3A_70 = tpu.memref_squeeze %dma_start3A_69 : memref<1x32x125x80xi32, #tpu.memory_space<hbm>> -> memref<32x125x80xi32, #tpu.memory_space<hbm>>
    %dma_start3A_71 = arith.constant 0 : i32
    %dma_start3A_72 = arith.constant 0 : i32
    %dma_start3A_73 = tpu.memref_slice %dma_start3A_70[%add3A, %dma_start3A_71, %dma_start3A_72] : memref<32x125x80xi32, #tpu.memory_space<hbm>> -> memref<1x125x80xi32, #tpu.memory_space<hbm>>
    %dma_start3A_74 = tpu.memref_squeeze %dma_start3A_73 : memref<1x125x80xi32, #tpu.memory_space<hbm>> -> memref<125x80xi32, #tpu.memory_space<hbm>>
    tpu.enqueue_dma source(%dma_start3A_74 : memref<125x80xi32, #tpu.memory_space<hbm>>) target(%arg5 : memref<125x80xi32, #tpu.memory_space<vmem>>) target_semaphore(%arg12 : memref<!tpu.dma_semaphore, #tpu.memory_space<semaphore_mem>>)
    %broadcast_in_dim3A = arith.constant 0.000000e+00 : f32
    %broadcast_in_dim3A_75 = vector.broadcast %broadcast_in_dim3A : f32 to vector<16xf32>
    %scan3A = arith.constant 0 : i32
    %scan3A_76 = arith.constant 16 : i32
    %scan3A_77 = arith.addi %scan3A, %scan3A_76 : i32
    %scan3A_78 = arith.constant 1 : i32
    scf.for %scan3A_227 = %scan3A to %scan3A_77 step %scan3A_78  : i32 {
      %mul3A_228 = arith.constant 1 : i32
      %mul3A_229 = arith.muli %scan3A_227, %mul3A_228 : i32
      %add3A_230 = arith.constant 0 : i32
      %add3A_231 = arith.addi %add3A_230, %mul3A_229 : i32
      %scan3A_232 = arith.constant 0 : i32
      %scan3A_233 = arith.constant 8 : i32
      %scan3A_234 = arith.addi %scan3A_232, %scan3A_233 : i32
      %scan3A_235 = arith.constant 1 : i32
      scf.for %scan3A_237 = %scan3A_232 to %scan3A_234 step %scan3A_235  : i32 {
        %mul3A_238 = arith.constant 16 : i32
        %mul3A_239 = arith.muli %scan3A_237, %mul3A_238 : i32
        %add3A_240 = arith.constant 0 : i32
        %add3A_241 = arith.addi %add3A_240, %mul3A_239 : i32
        %swap3A = arith.index_cast %add3A_231 : i32 to index
        %swap3A_242 = arith.index_cast %add3A_241 : i32 to index
        %swap3A_243 = tpu.vector_load %arg7[%swap3A, %swap3A_242] {strides = array<i32>} : memref<16x128xf32, #tpu.memory_space<vmem>>, vector<1x16xf32>,
        %swap3A_244 = vector.shape_cast %swap3A_243 : vector<1x16xf32> to vector<16xf32>
        %swap3A_245 = vector.shape_cast %broadcast_in_dim3A_75 : vector<16xf32> to vector<1x16xf32>
        tpu.vector_store %arg7[%swap3A, %swap3A_242], %swap3A_245 {strides = array<i32>} : memref<16x128xf32, #tpu.memory_space<vmem>>, vector<1x16xf32>,
      }
      %scan3A_236 = arith.constant 8 : i32
    }
    %scan3A_79 = arith.constant 16 : i32
    %mul3A_80 = arith.constant 624 : i32
    %mul3A_81 = arith.muli %arg1, %mul3A_80 : i32
    %scan3A_82 = arith.constant 0 : i32
    %scan3A_83 = arith.constant 39 : i32
    %scan3A_84 = arith.addi %scan3A_82, %scan3A_83 : i32
    %scan3A_85 = arith.constant 1 : i32
    scf.for %scan3A_227 = %scan3A_82 to %scan3A_84 step %scan3A_85  : i32 {
      %mul3A_228 = arith.constant 16 : i32
      %mul3A_229 = arith.muli %scan3A_227, %mul3A_228 : i32
      %add3A_230 = arith.constant 0 : i32
      %add3A_231 = arith.addi %add3A_230, %mul3A_229 : i32
      %add3A_232 = arith.addi %mul3A_81, %add3A_231 : i32
      %dma_start3A_233 = arith.constant 0 : i32
      %dma_start3A_234 = tpu.memref_slice %arg8[%add3A_232, %dma_start3A_233] : memref<10000x128xf32, #tpu.memory_space<vmem_shared>> -> memref<16x128xf32, #tpu.memory_space<vmem_shared>>
      %dma_start3A_235 = arith.constant 0 : i32
      %dma_start3A_236 = tpu.memref_slice %arg8[%add3A_232, %dma_start3A_235] : memref<10000x128xf32, #tpu.memory_space<vmem_shared>> -> memref<16x128xf32, #tpu.memory_space<vmem_shared>>
      tpu.enqueue_dma source(%arg7 : memref<16x128xf32, #tpu.memory_space<vmem>>) target(%dma_start3A_236 : memref<16x128xf32, #tpu.memory_space<vmem_shared>>) target_semaphore(%arg11 : memref<!tpu.dma_semaphore, #tpu.memory_space<semaphore_mem>>)
    }
    %scan3A_86 = arith.constant 39 : i32
    %eq3A = arith.constant 15 : i32
    %eq3A_87 = arith.cmpi eq, %arg1, %eq3A : i32
    %convert_element_type3A = arith.extui %eq3A_87 : i1 to i32
    %cond3A = arith.constant 0 : i32
    %cond3A_88 = arith.cmpi ne, %convert_element_type3A, %cond3A : i32
    scf.if %cond3A_88 {
      %dma_start3A_227 = arith.constant 0 : i32
      %dma_start3A_228 = arith.constant 0 : i32
      %dma_start3A_229 = tpu.memref_slice %arg7[%dma_start3A_227, %dma_start3A_228] : memref<16x128xf32, #tpu.memory_space<vmem>> -> memref<16x128xf32, #tpu.memory_space<vmem>>
      %dma_start3A_230 = arith.constant 9984 : i32
      %dma_start3A_231 = arith.constant 0 : i32
      %dma_start3A_232 = tpu.memref_slice %arg8[%dma_start3A_230, %dma_start3A_231] : memref<10000x128xf32, #tpu.memory_space<vmem_shared>> -> memref<16x128xf32, #tpu.memory_space<vmem_shared>>
      %dma_start3A_233 = arith.constant 9984 : i32
      %dma_start3A_234 = arith.constant 0 : i32
      %dma_start3A_235 = tpu.memref_slice %arg8[%dma_start3A_233, %dma_start3A_234] : memref<10000x128xf32, #tpu.memory_space<vmem_shared>> -> memref<16x128xf32, #tpu.memory_space<vmem_shared>>
      %dma_start3A_236 = arith.constant 0 : i32
      %dma_start3A_237 = arith.constant 0 : i32
      %dma_start3A_238 = tpu.memref_slice %arg7[%dma_start3A_236, %dma_start3A_237] : memref<16x128xf32, #tpu.memory_space<vmem>> -> memref<16x128xf32, #tpu.memory_space<vmem>>
      tpu.enqueue_dma source(%dma_start3A_238 : memref<16x128xf32, #tpu.memory_space<vmem>>) target(%dma_start3A_235 : memref<16x128xf32, #tpu.memory_space<vmem_shared>>) target_semaphore(%arg11 : memref<!tpu.dma_semaphore, #tpu.memory_space<semaphore_mem>>)
    } else {
    }
    %scan3A_89 = arith.constant 0 : i32
    %scan3A_90 = arith.constant 39 : i32
    %scan3A_91 = arith.addi %scan3A_89, %scan3A_90 : i32
    %scan3A_92 = arith.constant 1 : i32
    scf.for %scan3A_227 = %scan3A_89 to %scan3A_91 step %scan3A_92  : i32 {
      %mul3A_228 = arith.constant 16 : i32
      %mul3A_229 = arith.muli %scan3A_227, %mul3A_228 : i32
      %add3A_230 = arith.constant 0 : i32
      %add3A_231 = arith.addi %add3A_230, %mul3A_229 : i32
      %add3A_232 = arith.addi %mul3A_81, %add3A_231 : i32
      %dma_wait3A_233 = arith.constant 0 : i32
      %dma_wait3A_234 = tpu.memref_slice %arg8[%add3A_232, %dma_wait3A_233] : memref<10000x128xf32, #tpu.memory_space<vmem_shared>> -> memref<16x128xf32, #tpu.memory_space<vmem_shared>>
      %dma_wait3A_235 = arith.constant 0 : i32
      %dma_wait3A_236 = tpu.memref_slice %arg8[%add3A_232, %dma_wait3A_235] : memref<10000x128xf32, #tpu.memory_space<vmem_shared>> -> memref<16x128xf32, #tpu.memory_space<vmem_shared>>
      tpu.wait_dma2 semaphore(%arg11 : memref<!tpu.dma_semaphore, #tpu.memory_space<semaphore_mem>>) src(%arg7 : memref<16x128xf32, #tpu.memory_space<vmem>>) dst(%dma_wait3A_236 : memref<16x128xf32, #tpu.memory_space<vmem_shared>>)
    }
    %scan3A_93 = arith.constant 39 : i32
    %eq3A_94 = arith.constant 15 : i32
    %eq3A_95 = arith.cmpi eq, %arg1, %eq3A_94 : i32
    %convert_element_type3A_96 = arith.extui %eq3A_95 : i1 to i32
    %cond3A_97 = arith.constant 0 : i32
    %cond3A_98 = arith.cmpi ne, %convert_element_type3A_96, %cond3A_97 : i32
    scf.if %cond3A_98 {
      %dma_wait3A_227 = arith.constant 0 : i32
      %dma_wait3A_228 = arith.constant 0 : i32
      %dma_wait3A_229 = tpu.memref_slice %arg7[%dma_wait3A_227, %dma_wait3A_228] : memref<16x128xf32, #tpu.memory_space<vmem>> -> memref<16x128xf32, #tpu.memory_space<vmem>>
      %dma_wait3A_230 = arith.constant 9984 : i32
      %dma_wait3A_231 = arith.constant 0 : i32
      %dma_wait3A_232 = tpu.memref_slice %arg8[%dma_wait3A_230, %dma_wait3A_231] : memref<10000x128xf32, #tpu.memory_space<vmem_shared>> -> memref<16x128xf32, #tpu.memory_space<vmem_shared>>
      %dma_wait3A_233 = arith.constant 9984 : i32
      %dma_wait3A_234 = arith.constant 0 : i32
      %dma_wait3A_235 = tpu.memref_slice %arg8[%dma_wait3A_233, %dma_wait3A_234] : memref<10000x128xf32, #tpu.memory_space<vmem_shared>> -> memref<16x128xf32, #tpu.memory_space<vmem_shared>>
      %dma_wait3A_236 = arith.constant 0 : i32
      %dma_wait3A_237 = arith.constant 0 : i32
      %dma_wait3A_238 = tpu.memref_slice %arg7[%dma_wait3A_236, %dma_wait3A_237] : memref<16x128xf32, #tpu.memory_space<vmem>> -> memref<16x128xf32, #tpu.memory_space<vmem>>
      tpu.wait_dma2 semaphore(%arg11 : memref<!tpu.dma_semaphore, #tpu.memory_space<semaphore_mem>>) src(%dma_wait3A_238 : memref<16x128xf32, #tpu.memory_space<vmem>>) dst(%dma_wait3A_235 : memref<16x128xf32, #tpu.memory_space<vmem_shared>>)
    } else {
    }
    %dma_wait3A = arith.constant 0 : i32
    %dma_wait3A_99 = arith.constant 0 : i32
    %dma_wait3A_100 = arith.constant 0 : i32
    %dma_wait3A_101 = arith.constant 0 : i32
    %dma_wait3A_102 = tpu.memref_slice %arg3[%dma_wait3A, %dma_wait3A_99, %dma_wait3A_100, %dma_wait3A_101] : memref<2x32x125x80xi32, #tpu.memory_space<hbm>> -> memref<1x32x125x80xi32, #tpu.memory_space<hbm>>
    %dma_wait3A_103 = tpu.memref_squeeze %dma_wait3A_102 : memref<1x32x125x80xi32, #tpu.memory_space<hbm>> -> memref<32x125x80xi32, #tpu.memory_space<hbm>>
    %dma_wait3A_104 = arith.constant 0 : i32
    %dma_wait3A_105 = arith.constant 0 : i32
    %dma_wait3A_106 = tpu.memref_slice %dma_wait3A_103[%add3A, %dma_wait3A_104, %dma_wait3A_105] : memref<32x125x80xi32, #tpu.memory_space<hbm>> -> memref<1x125x80xi32, #tpu.memory_space<hbm>>
    %dma_wait3A_107 = tpu.memref_squeeze %dma_wait3A_106 : memref<1x125x80xi32, #tpu.memory_space<hbm>> -> memref<125x80xi32, #tpu.memory_space<hbm>>
    %dma_wait3A_108 = arith.constant 0 : i32
    %dma_wait3A_109 = arith.constant 0 : i32
    %dma_wait3A_110 = arith.constant 0 : i32
    %dma_wait3A_111 = tpu.memref_slice %arg3[%dma_wait3A, %dma_wait3A_108, %dma_wait3A_109, %dma_wait3A_110] : memref<2x32x125x80xi32, #tpu.memory_space<hbm>> -> memref<1x32x125x80xi32, #tpu.memory_space<hbm>>
    %dma_wait3A_112 = tpu.memref_squeeze %dma_wait3A_111 : memref<1x32x125x80xi32, #tpu.memory_space<hbm>> -> memref<32x125x80xi32, #tpu.memory_space<hbm>>
    %dma_wait3A_113 = arith.constant 0 : i32
    %dma_wait3A_114 = arith.constant 0 : i32
    %dma_wait3A_115 = tpu.memref_slice %dma_wait3A_112[%add3A, %dma_wait3A_113, %dma_wait3A_114] : memref<32x125x80xi32, #tpu.memory_space<hbm>> -> memref<1x125x80xi32, #tpu.memory_space<hbm>>
    %dma_wait3A_116 = tpu.memref_squeeze %dma_wait3A_115 : memref<1x125x80xi32, #tpu.memory_space<hbm>> -> memref<125x80xi32, #tpu.memory_space<hbm>>
    tpu.wait_dma2 semaphore(%arg12 : memref<!tpu.dma_semaphore, #tpu.memory_space<semaphore_mem>>) src(%dma_wait3A_116 : memref<125x80xi32, #tpu.memory_space<hbm>>) dst(%arg5 : memref<125x80xi32, #tpu.memory_space<vmem>>)
    %barrier3A = arith.constant 0 : index
    tpu.barrier barrier_id(%barrier3A)
    %scan3A_117 = arith.constant 0 : i32
    %scan3A_118 = arith.constant 41 : i32
    %scan3A_119 = arith.addi %scan3A_117, %scan3A_118 : i32
    %scan3A_120 = arith.constant 1 : i32
    scf.for %scan3A_227 = %scan3A_117 to %scan3A_119 step %scan3A_120  : i32 {
      %mul3A_228 = arith.constant 1 : i32
      %mul3A_229 = arith.muli %scan3A_227, %mul3A_228 : i32
      %add3A_230 = arith.constant 0 : i32
      %add3A_231 = arith.addi %add3A_230, %mul3A_229 : i32
      %mul3A_232 = arith.constant 3 : i32
      %mul3A_233 = arith.muli %add3A_231, %mul3A_232 : i32
      %add3A_234 = arith.constant 0 : i32
      %add3A_235 = arith.addi %mul3A_233, %add3A_234 : i32
      %mul3A_236 = arith.constant 80 : i32
      %mul3A_237 = arith.muli %add3A_235, %mul3A_236 : i32
      %add3A_238 = arith.addi %mul3A_2, %mul3A_237 : i32
      %dma_wait3A_239 = arith.constant 0 : i32
      %dma_wait3A_240 = arith.constant 0 : i32
      %dma_wait3A_241 = arith.constant 0 : i32
      %dma_wait3A_242 = arith.constant 0 : i32
      %dma_wait3A_243 = tpu.memref_slice %arg6[%dma_wait3A_239, %dma_wait3A_241, %dma_wait3A_242] : memref<3x80x128xf32, #tpu.memory_space<vmem>> -> memref<1x80x128xf32, #tpu.memory_space<vmem>>
      %dma_wait3A_244 = tpu.memref_squeeze %dma_wait3A_243 : memref<1x80x128xf32, #tpu.memory_space<vmem>> -> memref<80x128xf32, #tpu.memory_space<vmem>>
      %dma_wait3A_245 = arith.constant 0 : i32
      %dma_wait3A_246 = tpu.memref_slice %arg2[%add3A_238, %dma_wait3A_245] : memref<320000x128xf32, #tpu.memory_space<hbm>> -> memref<80x128xf32, #tpu.memory_space<hbm>>
      %dma_wait3A_247 = tpu.memref_slice %arg9[%dma_wait3A_240] : memref<3x!tpu.dma_semaphore, #tpu.memory_space<semaphore_mem>> -> memref<1x!tpu.dma_semaphore, #tpu.memory_space<semaphore_mem>>
      %dma_wait3A_248 = tpu.memref_squeeze %dma_wait3A_247 : memref<1x!tpu.dma_semaphore, #tpu.memory_space<semaphore_mem>> -> memref<!tpu.dma_semaphore, #tpu.memory_space<semaphore_mem>>
      %dma_wait3A_249 = arith.constant 0 : i32
      %dma_wait3A_250 = arith.constant 0 : i32
      %dma_wait3A_251 = tpu.memref_slice %arg6[%dma_wait3A_239, %dma_wait3A_249, %dma_wait3A_250] : memref<3x80x128xf32, #tpu.memory_space<vmem>> -> memref<1x80x128xf32, #tpu.memory_space<vmem>>
      %dma_wait3A_252 = tpu.memref_squeeze %dma_wait3A_251 : memref<1x80x128xf32, #tpu.memory_space<vmem>> -> memref<80x128xf32, #tpu.memory_space<vmem>>
      %dma_wait3A_253 = arith.constant 0 : i32
      %dma_wait3A_254 = tpu.memref_slice %arg2[%add3A_238, %dma_wait3A_253] : memref<320000x128xf32, #tpu.memory_space<hbm>> -> memref<80x128xf32, #tpu.memory_space<hbm>>
      tpu.wait_dma2 semaphore(%dma_wait3A_248 : memref<!tpu.dma_semaphore, #tpu.memory_space<semaphore_mem>>) src(%dma_wait3A_254 : memref<80x128xf32, #tpu.memory_space<hbm>>) dst(%dma_wait3A_252 : memref<80x128xf32, #tpu.memory_space<vmem>>)
      %dma_start3A_255 = arith.constant 0 : i32
      %dma_start3A_256 = arith.constant 0 : i32
      %dma_start3A_257 = arith.constant 0 : i32
      %dma_start3A_258 = arith.constant 0 : i32
      %dma_start3A_259 = tpu.memref_slice %arg6[%dma_start3A_255, %dma_start3A_257, %dma_start3A_258] : memref<3x80x128xf32, #tpu.memory_space<vmem>> -> memref<1x80x128xf32, #tpu.memory_space<vmem>>
      %dma_start3A_260 = tpu.memref_squeeze %dma_start3A_259 : memref<1x80x128xf32, #tpu.memory_space<vmem>> -> memref<80x128xf32, #tpu.memory_space<vmem>>
      %dma_start3A_261 = arith.constant 0 : i32
      %dma_start3A_262 = tpu.memref_slice %arg5[%add3A_235, %dma_start3A_261] : memref<125x80xi32, #tpu.memory_space<vmem>> -> memref<1x80xi32, #tpu.memory_space<vmem>>
      %dma_start3A_263 = tpu.memref_squeeze %dma_start3A_262 : memref<1x80xi32, #tpu.memory_space<vmem>> -> memref<80xi32, #tpu.memory_space<vmem>>
      %dma_start3A_264 = arith.constant 0 : i32
      %dma_start3A_265 = arith.constant 0 : i32
      %dma_start3A_266 = tpu.memref_slice %arg8[%dma_start3A_264, %dma_start3A_265] : memref<10000x128xf32, #tpu.memory_space<vmem_shared>> -> memref<10000x128xf32, #tpu.memory_space<vmem_shared>>
      %dma_start3A_267 = tpu.memref_slice %arg10[%dma_start3A_256] : memref<3x!tpu.dma_semaphore, #tpu.memory_space<semaphore_mem>> -> memref<1x!tpu.dma_semaphore, #tpu.memory_space<semaphore_mem>>
      %dma_start3A_268 = tpu.memref_squeeze %dma_start3A_267 : memref<1x!tpu.dma_semaphore, #tpu.memory_space<semaphore_mem>> -> memref<!tpu.dma_semaphore, #tpu.memory_space<semaphore_mem>>
      tpu.enqueue_indirect_dma source(%dma_start3A_260 : memref<80x128xf32, #tpu.memory_space<vmem>>) target(%dma_start3A_266 : memref<10000x128xf32, #tpu.memory_space<vmem_shared>>) offsets(%dma_start3A_263 : memref<80xi32, #tpu.memory_space<vmem>>) semaphore(%dma_start3A_268 : memref<!tpu.dma_semaphore, #tpu.memory_space<semaphore_mem>>) {add = true}
      %mul3A_269 = arith.constant 3 : i32
      %mul3A_270 = arith.muli %add3A_231, %mul3A_269 : i32
      %add3A_271 = arith.constant 1 : i32
      %add3A_272 = arith.addi %mul3A_270, %add3A_271 : i32
      %mul3A_273 = arith.constant 80 : i32
      %mul3A_274 = arith.muli %add3A_272, %mul3A_273 : i32
      %add3A_275 = arith.addi %mul3A_2, %mul3A_274 : i32
      %dma_wait3A_276 = arith.constant 1 : i32
      %dma_wait3A_277 = arith.constant 1 : i32
      %dma_wait3A_278 = arith.constant 0 : i32
      %dma_wait3A_279 = arith.constant 0 : i32
      %dma_wait3A_280 = tpu.memref_slice %arg6[%dma_wait3A_276, %dma_wait3A_278, %dma_wait3A_279] : memref<3x80x128xf32, #tpu.memory_space<vmem>> -> memref<1x80x128xf32, #tpu.memory_space<vmem>>
      %dma_wait3A_281 = tpu.memref_squeeze %dma_wait3A_280 : memref<1x80x128xf32, #tpu.memory_space<vmem>> -> memref<80x128xf32, #tpu.memory_space<vmem>>
      %dma_wait3A_282 = arith.constant 0 : i32
      %dma_wait3A_283 = tpu.memref_slice %arg2[%add3A_275, %dma_wait3A_282] : memref<320000x128xf32, #tpu.memory_space<hbm>> -> memref<80x128xf32, #tpu.memory_space<hbm>>
      %dma_wait3A_284 = tpu.memref_slice %arg9[%dma_wait3A_277] : memref<3x!tpu.dma_semaphore, #tpu.memory_space<semaphore_mem>> -> memref<1x!tpu.dma_semaphore, #tpu.memory_space<semaphore_mem>>
      %dma_wait3A_285 = tpu.memref_squeeze %dma_wait3A_284 : memref<1x!tpu.dma_semaphore, #tpu.memory_space<semaphore_mem>> -> memref<!tpu.dma_semaphore, #tpu.memory_space<semaphore_mem>>
      %dma_wait3A_286 = arith.constant 0 : i32
      %dma_wait3A_287 = arith.constant 0 : i32
      %dma_wait3A_288 = tpu.memref_slice %arg6[%dma_wait3A_276, %dma_wait3A_286, %dma_wait3A_287] : memref<3x80x128xf32, #tpu.memory_space<vmem>> -> memref<1x80x128xf32, #tpu.memory_space<vmem>>
      %dma_wait3A_289 = tpu.memref_squeeze %dma_wait3A_288 : memref<1x80x128xf32, #tpu.memory_space<vmem>> -> memref<80x128xf32, #tpu.memory_space<vmem>>
      %dma_wait3A_290 = arith.constant 0 : i32
      %dma_wait3A_291 = tpu.memref_slice %arg2[%add3A_275, %dma_wait3A_290] : memref<320000x128xf32, #tpu.memory_space<hbm>> -> memref<80x128xf32, #tpu.memory_space<hbm>>
      tpu.wait_dma2 semaphore(%dma_wait3A_285 : memref<!tpu.dma_semaphore, #tpu.memory_space<semaphore_mem>>) src(%dma_wait3A_291 : memref<80x128xf32, #tpu.memory_space<hbm>>) dst(%dma_wait3A_289 : memref<80x128xf32, #tpu.memory_space<vmem>>)
      %dma_start3A_292 = arith.constant 1 : i32
      %dma_start3A_293 = arith.constant 1 : i32
      %dma_start3A_294 = arith.constant 0 : i32
      %dma_start3A_295 = arith.constant 0 : i32
      %dma_start3A_296 = tpu.memref_slice %arg6[%dma_start3A_292, %dma_start3A_294, %dma_start3A_295] : memref<3x80x128xf32, #tpu.memory_space<vmem>> -> memref<1x80x128xf32, #tpu.memory_space<vmem>>
      %dma_start3A_297 = tpu.memref_squeeze %dma_start3A_296 : memref<1x80x128xf32, #tpu.memory_space<vmem>> -> memref<80x128xf32, #tpu.memory_space<vmem>>
      %dma_start3A_298 = arith.constant 0 : i32
      %dma_start3A_299 = tpu.memref_slice %arg5[%add3A_272, %dma_start3A_298] : memref<125x80xi32, #tpu.memory_space<vmem>> -> memref<1x80xi32, #tpu.memory_space<vmem>>
      %dma_start3A_300 = tpu.memref_squeeze %dma_start3A_299 : memref<1x80xi32, #tpu.memory_space<vmem>> -> memref<80xi32, #tpu.memory_space<vmem>>
      %dma_start3A_301 = arith.constant 0 : i32
      %dma_start3A_302 = arith.constant 0 : i32
      %dma_start3A_303 = tpu.memref_slice %arg8[%dma_start3A_301, %dma_start3A_302] : memref<10000x128xf32, #tpu.memory_space<vmem_shared>> -> memref<10000x128xf32, #tpu.memory_space<vmem_shared>>
      %dma_start3A_304 = tpu.memref_slice %arg10[%dma_start3A_293] : memref<3x!tpu.dma_semaphore, #tpu.memory_space<semaphore_mem>> -> memref<1x!tpu.dma_semaphore, #tpu.memory_space<semaphore_mem>>
      %dma_start3A_305 = tpu.memref_squeeze %dma_start3A_304 : memref<1x!tpu.dma_semaphore, #tpu.memory_space<semaphore_mem>> -> memref<!tpu.dma_semaphore, #tpu.memory_space<semaphore_mem>>
      tpu.enqueue_indirect_dma source(%dma_start3A_297 : memref<80x128xf32, #tpu.memory_space<vmem>>) target(%dma_start3A_303 : memref<10000x128xf32, #tpu.memory_space<vmem_shared>>) offsets(%dma_start3A_300 : memref<80xi32, #tpu.memory_space<vmem>>) semaphore(%dma_start3A_305 : memref<!tpu.dma_semaphore, #tpu.memory_space<semaphore_mem>>) {add = true}
      %mul3A_306 = arith.constant 3 : i32
      %mul3A_307 = arith.muli %add3A_231, %mul3A_306 : i32
      %add3A_308 = arith.constant 2 : i32
      %add3A_309 = arith.addi %mul3A_307, %add3A_308 : i32
      %mul3A_310 = arith.constant 80 : i32
      %mul3A_311 = arith.muli %add3A_309, %mul3A_310 : i32
      %add3A_312 = arith.addi %mul3A_2, %mul3A_311 : i32
      %dma_wait3A_313 = arith.constant 2 : i32
      %dma_wait3A_314 = arith.constant 2 : i32
      %dma_wait3A_315 = arith.constant 0 : i32
      %dma_wait3A_316 = arith.constant 0 : i32
      %dma_wait3A_317 = tpu.memref_slice %arg6[%dma_wait3A_313, %dma_wait3A_315, %dma_wait3A_316] : memref<3x80x128xf32, #tpu.memory_space<vmem>> -> memref<1x80x128xf32, #tpu.memory_space<vmem>>
      %dma_wait3A_318 = tpu.memref_squeeze %dma_wait3A_317 : memref<1x80x128xf32, #tpu.memory_space<vmem>> -> memref<80x128xf32, #tpu.memory_space<vmem>>
      %dma_wait3A_319 = arith.constant 0 : i32
      %dma_wait3A_320 = tpu.memref_slice %arg2[%add3A_312, %dma_wait3A_319] : memref<320000x128xf32, #tpu.memory_space<hbm>> -> memref<80x128xf32, #tpu.memory_space<hbm>>
      %dma_wait3A_321 = tpu.memref_slice %arg9[%dma_wait3A_314] : memref<3x!tpu.dma_semaphore, #tpu.memory_space<semaphore_mem>> -> memref<1x!tpu.dma_semaphore, #tpu.memory_space<semaphore_mem>>
      %dma_wait3A_322 = tpu.memref_squeeze %dma_wait3A_321 : memref<1x!tpu.dma_semaphore, #tpu.memory_space<semaphore_mem>> -> memref<!tpu.dma_semaphore, #tpu.memory_space<semaphore_mem>>
      %dma_wait3A_323 = arith.constant 0 : i32
      %dma_wait3A_324 = arith.constant 0 : i32
      %dma_wait3A_325 = tpu.memref_slice %arg6[%dma_wait3A_313, %dma_wait3A_323, %dma_wait3A_324] : memref<3x80x128xf32, #tpu.memory_space<vmem>> -> memref<1x80x128xf32, #tpu.memory_space<vmem>>
      %dma_wait3A_326 = tpu.memref_squeeze %dma_wait3A_325 : memref<1x80x128xf32, #tpu.memory_space<vmem>> -> memref<80x128xf32, #tpu.memory_space<vmem>>
      %dma_wait3A_327 = arith.constant 0 : i32
      %dma_wait3A_328 = tpu.memref_slice %arg2[%add3A_312, %dma_wait3A_327] : memref<320000x128xf32, #tpu.memory_space<hbm>> -> memref<80x128xf32, #tpu.memory_space<hbm>>
      tpu.wait_dma2 semaphore(%dma_wait3A_322 : memref<!tpu.dma_semaphore, #tpu.memory_space<semaphore_mem>>) src(%dma_wait3A_328 : memref<80x128xf32, #tpu.memory_space<hbm>>) dst(%dma_wait3A_326 : memref<80x128xf32, #tpu.memory_space<vmem>>)
      %dma_start3A_329 = arith.constant 2 : i32
      %dma_start3A_330 = arith.constant 2 : i32
      %dma_start3A_331 = arith.constant 0 : i32
      %dma_start3A_332 = arith.constant 0 : i32
      %dma_start3A_333 = tpu.memref_slice %arg6[%dma_start3A_329, %dma_start3A_331, %dma_start3A_332] : memref<3x80x128xf32, #tpu.memory_space<vmem>> -> memref<1x80x128xf32, #tpu.memory_space<vmem>>
      %dma_start3A_334 = tpu.memref_squeeze %dma_start3A_333 : memref<1x80x128xf32, #tpu.memory_space<vmem>> -> memref<80x128xf32, #tpu.memory_space<vmem>>
      %dma_start3A_335 = arith.constant 0 : i32
      %dma_start3A_336 = tpu.memref_slice %arg5[%add3A_309, %dma_start3A_335] : memref<125x80xi32, #tpu.memory_space<vmem>> -> memref<1x80xi32, #tpu.memory_space<vmem>>
      %dma_start3A_337 = tpu.memref_squeeze %dma_start3A_336 : memref<1x80xi32, #tpu.memory_space<vmem>> -> memref<80xi32, #tpu.memory_space<vmem>>
      %dma_start3A_338 = arith.constant 0 : i32
      %dma_start3A_339 = arith.constant 0 : i32
      %dma_start3A_340 = tpu.memref_slice %arg8[%dma_start3A_338, %dma_start3A_339] : memref<10000x128xf32, #tpu.memory_space<vmem_shared>> -> memref<10000x128xf32, #tpu.memory_space<vmem_shared>>
      %dma_start3A_341 = tpu.memref_slice %arg10[%dma_start3A_330] : memref<3x!tpu.dma_semaphore, #tpu.memory_space<semaphore_mem>> -> memref<1x!tpu.dma_semaphore, #tpu.memory_space<semaphore_mem>>
      %dma_start3A_342 = tpu.memref_squeeze %dma_start3A_341 : memref<1x!tpu.dma_semaphore, #tpu.memory_space<semaphore_mem>> -> memref<!tpu.dma_semaphore, #tpu.memory_space<semaphore_mem>>
      tpu.enqueue_indirect_dma source(%dma_start3A_334 : memref<80x128xf32, #tpu.memory_space<vmem>>) target(%dma_start3A_340 : memref<10000x128xf32, #tpu.memory_space<vmem_shared>>) offsets(%dma_start3A_337 : memref<80xi32, #tpu.memory_space<vmem>>) semaphore(%dma_start3A_342 : memref<!tpu.dma_semaphore, #tpu.memory_space<semaphore_mem>>) {add = true}
      %mul3A_343 = arith.constant 3 : i32
      %mul3A_344 = arith.muli %add3A_231, %mul3A_343 : i32
      %add3A_345 = arith.constant 0 : i32
      %add3A_346 = arith.addi %mul3A_344, %add3A_345 : i32
      %dma_wait3A_347 = arith.constant 0 : i32
      %dma_wait3A_348 = arith.constant 0 : i32
      %dma_wait3A_349 = arith.constant 0 : i32
      %dma_wait3A_350 = arith.constant 0 : i32
      %dma_wait3A_351 = tpu.memref_slice %arg6[%dma_wait3A_347, %dma_wait3A_349, %dma_wait3A_350] : memref<3x80x128xf32, #tpu.memory_space<vmem>> -> memref<1x80x128xf32, #tpu.memory_space<vmem>>
      %dma_wait3A_352 = tpu.memref_squeeze %dma_wait3A_351 : memref<1x80x128xf32, #tpu.memory_space<vmem>> -> memref<80x128xf32, #tpu.memory_space<vmem>>
      %dma_wait3A_353 = arith.constant 0 : i32
      %dma_wait3A_354 = tpu.memref_slice %arg5[%add3A_346, %dma_wait3A_353] : memref<125x80xi32, #tpu.memory_space<vmem>> -> memref<1x80xi32, #tpu.memory_space<vmem>>
      %dma_wait3A_355 = tpu.memref_squeeze %dma_wait3A_354 : memref<1x80xi32, #tpu.memory_space<vmem>> -> memref<80xi32, #tpu.memory_space<vmem>>
      %dma_wait3A_356 = arith.constant 0 : i32
      %dma_wait3A_357 = arith.constant 0 : i32
      %dma_wait3A_358 = tpu.memref_slice %arg8[%dma_wait3A_356, %dma_wait3A_357] : memref<10000x128xf32, #tpu.memory_space<vmem_shared>> -> memref<10000x128xf32, #tpu.memory_space<vmem_shared>>
      %dma_wait3A_359 = tpu.memref_slice %arg10[%dma_wait3A_348] : memref<3x!tpu.dma_semaphore, #tpu.memory_space<semaphore_mem>> -> memref<1x!tpu.dma_semaphore, #tpu.memory_space<semaphore_mem>>
      %dma_wait3A_360 = tpu.memref_squeeze %dma_wait3A_359 : memref<1x!tpu.dma_semaphore, #tpu.memory_space<semaphore_mem>> -> memref<!tpu.dma_semaphore, #tpu.memory_space<semaphore_mem>>
      tpu.wait_indirect_dma semaphore(%dma_wait3A_360 : memref<!tpu.dma_semaphore, #tpu.memory_space<semaphore_mem>>) src(%dma_wait3A_352 : memref<80x128xf32, #tpu.memory_space<vmem>>) dst(%dma_wait3A_358 : memref<10000x128xf32, #tpu.memory_space<vmem_shared>>)
      %add3A_361 = arith.constant 3 : i32
      %add3A_362 = arith.addi %add3A_346, %add3A_361 : i32
      %lt3A = arith.constant 125 : i32
      %lt3A_363 = arith.cmpi slt, %add3A_362, %lt3A : i32
      %convert_element_type3A_364 = arith.extui %lt3A_363 : i1 to i32
      %cond3A_365 = arith.constant 0 : i32
      %cond3A_366 = arith.cmpi ne, %convert_element_type3A_364, %cond3A_365 : i32
      scf.if %cond3A_366 {
        %add3A_417 = arith.constant 3 : i32
        %add3A_418 = arith.addi %add3A_346, %add3A_417 : i32
        %mul3A_419 = arith.constant 80 : i32
        %mul3A_420 = arith.muli %add3A_418, %mul3A_419 : i32
        %add3A_421 = arith.addi %mul3A_2, %mul3A_420 : i32
        %dma_start3A_422 = arith.constant 0 : i32
        %dma_start3A_423 = arith.constant 0 : i32
        %dma_start3A_424 = arith.constant 0 : i32
        %dma_start3A_425 = arith.constant 0 : i32
        %dma_start3A_426 = tpu.memref_slice %arg6[%dma_start3A_422, %dma_start3A_424, %dma_start3A_425] : memref<3x80x128xf32, #tpu.memory_space<vmem>> -> memref<1x80x128xf32, #tpu.memory_space<vmem>>
        %dma_start3A_427 = tpu.memref_squeeze %dma_start3A_426 : memref<1x80x128xf32, #tpu.memory_space<vmem>> -> memref<80x128xf32, #tpu.memory_space<vmem>>
        %dma_start3A_428 = arith.constant 0 : i32
        %dma_start3A_429 = tpu.memref_slice %arg2[%add3A_421, %dma_start3A_428] : memref<320000x128xf32, #tpu.memory_space<hbm>> -> memref<80x128xf32, #tpu.memory_space<hbm>>
        %dma_start3A_430 = tpu.memref_slice %arg9[%dma_start3A_423] : memref<3x!tpu.dma_semaphore, #tpu.memory_space<semaphore_mem>> -> memref<1x!tpu.dma_semaphore, #tpu.memory_space<semaphore_mem>>
        %dma_start3A_431 = tpu.memref_squeeze %dma_start3A_430 : memref<1x!tpu.dma_semaphore, #tpu.memory_space<semaphore_mem>> -> memref<!tpu.dma_semaphore, #tpu.memory_space<semaphore_mem>>
        %dma_start3A_432 = arith.constant 0 : i32
        %dma_start3A_433 = arith.constant 0 : i32
        %dma_start3A_434 = tpu.memref_slice %arg6[%dma_start3A_422, %dma_start3A_432, %dma_start3A_433] : memref<3x80x128xf32, #tpu.memory_space<vmem>> -> memref<1x80x128xf32, #tpu.memory_space<vmem>>
        %dma_start3A_435 = tpu.memref_squeeze %dma_start3A_434 : memref<1x80x128xf32, #tpu.memory_space<vmem>> -> memref<80x128xf32, #tpu.memory_space<vmem>>
        %dma_start3A_436 = arith.constant 0 : i32
        %dma_start3A_437 = tpu.memref_slice %arg2[%add3A_421, %dma_start3A_436] : memref<320000x128xf32, #tpu.memory_space<hbm>> -> memref<80x128xf32, #tpu.memory_space<hbm>>
        tpu.enqueue_dma source(%dma_start3A_437 : memref<80x128xf32, #tpu.memory_space<hbm>>) target(%dma_start3A_435 : memref<80x128xf32, #tpu.memory_space<vmem>>) target_semaphore(%dma_start3A_431 : memref<!tpu.dma_semaphore, #tpu.memory_space<semaphore_mem>>)
      } else {
      }
      %mul3A_367 = arith.constant 3 : i32
      %mul3A_368 = arith.muli %add3A_231, %mul3A_367 : i32
      %add3A_369 = arith.constant 1 : i32
      %add3A_370 = arith.addi %mul3A_368, %add3A_369 : i32
      %dma_wait3A_371 = arith.constant 1 : i32
      %dma_wait3A_372 = arith.constant 1 : i32
      %dma_wait3A_373 = arith.constant 0 : i32
      %dma_wait3A_374 = arith.constant 0 : i32
      %dma_wait3A_375 = tpu.memref_slice %arg6[%dma_wait3A_371, %dma_wait3A_373, %dma_wait3A_374] : memref<3x80x128xf32, #tpu.memory_space<vmem>> -> memref<1x80x128xf32, #tpu.memory_space<vmem>>
      %dma_wait3A_376 = tpu.memref_squeeze %dma_wait3A_375 : memref<1x80x128xf32, #tpu.memory_space<vmem>> -> memref<80x128xf32, #tpu.memory_space<vmem>>
      %dma_wait3A_377 = arith.constant 0 : i32
      %dma_wait3A_378 = tpu.memref_slice %arg5[%add3A_370, %dma_wait3A_377] : memref<125x80xi32, #tpu.memory_space<vmem>> -> memref<1x80xi32, #tpu.memory_space<vmem>>
      %dma_wait3A_379 = tpu.memref_squeeze %dma_wait3A_378 : memref<1x80xi32, #tpu.memory_space<vmem>> -> memref<80xi32, #tpu.memory_space<vmem>>
      %dma_wait3A_380 = arith.constant 0 : i32
      %dma_wait3A_381 = arith.constant 0 : i32
      %dma_wait3A_382 = tpu.memref_slice %arg8[%dma_wait3A_380, %dma_wait3A_381] : memref<10000x128xf32, #tpu.memory_space<vmem_shared>> -> memref<10000x128xf32, #tpu.memory_space<vmem_shared>>
      %dma_wait3A_383 = tpu.memref_slice %arg10[%dma_wait3A_372] : memref<3x!tpu.dma_semaphore, #tpu.memory_space<semaphore_mem>> -> memref<1x!tpu.dma_semaphore, #tpu.memory_space<semaphore_mem>>
      %dma_wait3A_384 = tpu.memref_squeeze %dma_wait3A_383 : memref<1x!tpu.dma_semaphore, #tpu.memory_space<semaphore_mem>> -> memref<!tpu.dma_semaphore, #tpu.memory_space<semaphore_mem>>
      tpu.wait_indirect_dma semaphore(%dma_wait3A_384 : memref<!tpu.dma_semaphore, #tpu.memory_space<semaphore_mem>>) src(%dma_wait3A_376 : memref<80x128xf32, #tpu.memory_space<vmem>>) dst(%dma_wait3A_382 : memref<10000x128xf32, #tpu.memory_space<vmem_shared>>)
      %add3A_385 = arith.constant 3 : i32
      %add3A_386 = arith.addi %add3A_370, %add3A_385 : i32
      %lt3A_387 = arith.constant 125 : i32
      %lt3A_388 = arith.cmpi slt, %add3A_386, %lt3A_387 : i32
      %convert_element_type3A_389 = arith.extui %lt3A_388 : i1 to i32
      %cond3A_390 = arith.constant 0 : i32
      %cond3A_391 = arith.cmpi ne, %convert_element_type3A_389, %cond3A_390 : i32
      scf.if %cond3A_391 {
        %add3A_417 = arith.constant 3 : i32
        %add3A_418 = arith.addi %add3A_370, %add3A_417 : i32
        %mul3A_419 = arith.constant 80 : i32
        %mul3A_420 = arith.muli %add3A_418, %mul3A_419 : i32
        %add3A_421 = arith.addi %mul3A_2, %mul3A_420 : i32
        %dma_start3A_422 = arith.constant 1 : i32
        %dma_start3A_423 = arith.constant 1 : i32
        %dma_start3A_424 = arith.constant 0 : i32
        %dma_start3A_425 = arith.constant 0 : i32
        %dma_start3A_426 = tpu.memref_slice %arg6[%dma_start3A_422, %dma_start3A_424, %dma_start3A_425] : memref<3x80x128xf32, #tpu.memory_space<vmem>> -> memref<1x80x128xf32, #tpu.memory_space<vmem>>
        %dma_start3A_427 = tpu.memref_squeeze %dma_start3A_426 : memref<1x80x128xf32, #tpu.memory_space<vmem>> -> memref<80x128xf32, #tpu.memory_space<vmem>>
        %dma_start3A_428 = arith.constant 0 : i32
        %dma_start3A_429 = tpu.memref_slice %arg2[%add3A_421, %dma_start3A_428] : memref<320000x128xf32, #tpu.memory_space<hbm>> -> memref<80x128xf32, #tpu.memory_space<hbm>>
        %dma_start3A_430 = tpu.memref_slice %arg9[%dma_start3A_423] : memref<3x!tpu.dma_semaphore, #tpu.memory_space<semaphore_mem>> -> memref<1x!tpu.dma_semaphore, #tpu.memory_space<semaphore_mem>>
        %dma_start3A_431 = tpu.memref_squeeze %dma_start3A_430 : memref<1x!tpu.dma_semaphore, #tpu.memory_space<semaphore_mem>> -> memref<!tpu.dma_semaphore, #tpu.memory_space<semaphore_mem>>
        %dma_start3A_432 = arith.constant 0 : i32
        %dma_start3A_433 = arith.constant 0 : i32
        %dma_start3A_434 = tpu.memref_slice %arg6[%dma_start3A_422, %dma_start3A_432, %dma_start3A_433] : memref<3x80x128xf32, #tpu.memory_space<vmem>> -> memref<1x80x128xf32, #tpu.memory_space<vmem>>
        %dma_start3A_435 = tpu.memref_squeeze %dma_start3A_434 : memref<1x80x128xf32, #tpu.memory_space<vmem>> -> memref<80x128xf32, #tpu.memory_space<vmem>>
        %dma_start3A_436 = arith.constant 0 : i32
        %dma_start3A_437 = tpu.memref_slice %arg2[%add3A_421, %dma_start3A_436] : memref<320000x128xf32, #tpu.memory_space<hbm>> -> memref<80x128xf32, #tpu.memory_space<hbm>>
        tpu.enqueue_dma source(%dma_start3A_437 : memref<80x128xf32, #tpu.memory_space<hbm>>) target(%dma_start3A_435 : memref<80x128xf32, #tpu.memory_space<vmem>>) target_semaphore(%dma_start3A_431 : memref<!tpu.dma_semaphore, #tpu.memory_space<semaphore_mem>>)
      } else {
      }
      %mul3A_392 = arith.constant 3 : i32
      %mul3A_393 = arith.muli %add3A_231, %mul3A_392 : i32
      %add3A_394 = arith.constant 2 : i32
      %add3A_395 = arith.addi %mul3A_393, %add3A_394 : i32
      %dma_wait3A_396 = arith.constant 2 : i32
      %dma_wait3A_397 = arith.constant 2 : i32
      %dma_wait3A_398 = arith.constant 0 : i32
      %dma_wait3A_399 = arith.constant 0 : i32
      %dma_wait3A_400 = tpu.memref_slice %arg6[%dma_wait3A_396, %dma_wait3A_398, %dma_wait3A_399] : memref<3x80x128xf32, #tpu.memory_space<vmem>> -> memref<1x80x128xf32, #tpu.memory_space<vmem>>
      %dma_wait3A_401 = tpu.memref_squeeze %dma_wait3A_400 : memref<1x80x128xf32, #tpu.memory_space<vmem>> -> memref<80x128xf32, #tpu.memory_space<vmem>>
      %dma_wait3A_402 = arith.constant 0 : i32
      %dma_wait3A_403 = tpu.memref_slice %arg5[%add3A_395, %dma_wait3A_402] : memref<125x80xi32, #tpu.memory_space<vmem>> -> memref<1x80xi32, #tpu.memory_space<vmem>>
      %dma_wait3A_404 = tpu.memref_squeeze %dma_wait3A_403 : memref<1x80xi32, #tpu.memory_space<vmem>> -> memref<80xi32, #tpu.memory_space<vmem>>
      %dma_wait3A_405 = arith.constant 0 : i32
      %dma_wait3A_406 = arith.constant 0 : i32
      %dma_wait3A_407 = tpu.memref_slice %arg8[%dma_wait3A_405, %dma_wait3A_406] : memref<10000x128xf32, #tpu.memory_space<vmem_shared>> -> memref<10000x128xf32, #tpu.memory_space<vmem_shared>>
      %dma_wait3A_408 = tpu.memref_slice %arg10[%dma_wait3A_397] : memref<3x!tpu.dma_semaphore, #tpu.memory_space<semaphore_mem>> -> memref<1x!tpu.dma_semaphore, #tpu.memory_space<semaphore_mem>>
      %dma_wait3A_409 = tpu.memref_squeeze %dma_wait3A_408 : memref<1x!tpu.dma_semaphore, #tpu.memory_space<semaphore_mem>> -> memref<!tpu.dma_semaphore, #tpu.memory_space<semaphore_mem>>
      tpu.wait_indirect_dma semaphore(%dma_wait3A_409 : memref<!tpu.dma_semaphore, #tpu.memory_space<semaphore_mem>>) src(%dma_wait3A_401 : memref<80x128xf32, #tpu.memory_space<vmem>>) dst(%dma_wait3A_407 : memref<10000x128xf32, #tpu.memory_space<vmem_shared>>)
      %add3A_410 = arith.constant 3 : i32
      %add3A_411 = arith.addi %add3A_395, %add3A_410 : i32
      %lt3A_412 = arith.constant 125 : i32
      %lt3A_413 = arith.cmpi slt, %add3A_411, %lt3A_412 : i32
      %convert_element_type3A_414 = arith.extui %lt3A_413 : i1 to i32
      %cond3A_415 = arith.constant 0 : i32
      %cond3A_416 = arith.cmpi ne, %convert_element_type3A_414, %cond3A_415 : i32
      scf.if %cond3A_416 {
        %add3A_417 = arith.constant 3 : i32
        %add3A_418 = arith.addi %add3A_395, %add3A_417 : i32
        %mul3A_419 = arith.constant 80 : i32
        %mul3A_420 = arith.muli %add3A_418, %mul3A_419 : i32
        %add3A_421 = arith.addi %mul3A_2, %mul3A_420 : i32
        %dma_start3A_422 = arith.constant 2 : i32
        %dma_start3A_423 = arith.constant 2 : i32
        %dma_start3A_424 = arith.constant 0 : i32
        %dma_start3A_425 = arith.constant 0 : i32
        %dma_start3A_426 = tpu.memref_slice %arg6[%dma_start3A_422, %dma_start3A_424, %dma_start3A_425] : memref<3x80x128xf32, #tpu.memory_space<vmem>> -> memref<1x80x128xf32, #tpu.memory_space<vmem>>
        %dma_start3A_427 = tpu.memref_squeeze %dma_start3A_426 : memref<1x80x128xf32, #tpu.memory_space<vmem>> -> memref<80x128xf32, #tpu.memory_space<vmem>>
        %dma_start3A_428 = arith.constant 0 : i32
        %dma_start3A_429 = tpu.memref_slice %arg2[%add3A_421, %dma_start3A_428] : memref<320000x128xf32, #tpu.memory_space<hbm>> -> memref<80x128xf32, #tpu.memory_space<hbm>>
        %dma_start3A_430 = tpu.memref_slice %arg9[%dma_start3A_423] : memref<3x!tpu.dma_semaphore, #tpu.memory_space<semaphore_mem>> -> memref<1x!tpu.dma_semaphore, #tpu.memory_space<semaphore_mem>>
        %dma_start3A_431 = tpu.memref_squeeze %dma_start3A_430 : memref<1x!tpu.dma_semaphore, #tpu.memory_space<semaphore_mem>> -> memref<!tpu.dma_semaphore, #tpu.memory_space<semaphore_mem>>
        %dma_start3A_432 = arith.constant 0 : i32
        %dma_start3A_433 = arith.constant 0 : i32
        %dma_start3A_434 = tpu.memref_slice %arg6[%dma_start3A_422, %dma_start3A_432, %dma_start3A_433] : memref<3x80x128xf32, #tpu.memory_space<vmem>> -> memref<1x80x128xf32, #tpu.memory_space<vmem>>
        %dma_start3A_435 = tpu.memref_squeeze %dma_start3A_434 : memref<1x80x128xf32, #tpu.memory_space<vmem>> -> memref<80x128xf32, #tpu.memory_space<vmem>>
        %dma_start3A_436 = arith.constant 0 : i32
        %dma_start3A_437 = tpu.memref_slice %arg2[%add3A_421, %dma_start3A_436] : memref<320000x128xf32, #tpu.memory_space<hbm>> -> memref<80x128xf32, #tpu.memory_space<hbm>>
        tpu.enqueue_dma source(%dma_start3A_437 : memref<80x128xf32, #tpu.memory_space<hbm>>) target(%dma_start3A_435 : memref<80x128xf32, #tpu.memory_space<vmem>>) target_semaphore(%dma_start3A_431 : memref<!tpu.dma_semaphore, #tpu.memory_space<semaphore_mem>>)
      } else {
      }
    }
    %scan3A_121 = arith.constant 41 : i32
    %add3A_122 = arith.constant 9840 : i32
    %add3A_123 = arith.addi %mul3A_2, %add3A_122 : i32
    %dma_wait3A_124 = arith.constant 0 : i32
    %dma_wait3A_125 = arith.constant 0 : i32
    %dma_wait3A_126 = arith.constant 0 : i32
    %dma_wait3A_127 = arith.constant 0 : i32
    %dma_wait3A_128 = tpu.memref_slice %arg6[%dma_wait3A_124, %dma_wait3A_126, %dma_wait3A_127] : memref<3x80x128xf32, #tpu.memory_space<vmem>> -> memref<1x80x128xf32, #tpu.memory_space<vmem>>
    %dma_wait3A_129 = tpu.memref_squeeze %dma_wait3A_128 : memref<1x80x128xf32, #tpu.memory_space<vmem>> -> memref<80x128xf32, #tpu.memory_space<vmem>>
    %dma_wait3A_130 = arith.constant 0 : i32
    %dma_wait3A_131 = tpu.memref_slice %arg2[%add3A_123, %dma_wait3A_130] : memref<320000x128xf32, #tpu.memory_space<hbm>> -> memref<80x128xf32, #tpu.memory_space<hbm>>
    %dma_wait3A_132 = tpu.memref_slice %arg9[%dma_wait3A_125] : memref<3x!tpu.dma_semaphore, #tpu.memory_space<semaphore_mem>> -> memref<1x!tpu.dma_semaphore, #tpu.memory_space<semaphore_mem>>
    %dma_wait3A_133 = tpu.memref_squeeze %dma_wait3A_132 : memref<1x!tpu.dma_semaphore, #tpu.memory_space<semaphore_mem>> -> memref<!tpu.dma_semaphore, #tpu.memory_space<semaphore_mem>>
    %dma_wait3A_134 = arith.constant 0 : i32
    %dma_wait3A_135 = arith.constant 0 : i32
    %dma_wait3A_136 = tpu.memref_slice %arg6[%dma_wait3A_124, %dma_wait3A_134, %dma_wait3A_135] : memref<3x80x128xf32, #tpu.memory_space<vmem>> -> memref<1x80x128xf32, #tpu.memory_space<vmem>>
    %dma_wait3A_137 = tpu.memref_squeeze %dma_wait3A_136 : memref<1x80x128xf32, #tpu.memory_space<vmem>> -> memref<80x128xf32, #tpu.memory_space<vmem>>
    %dma_wait3A_138 = arith.constant 0 : i32
    %dma_wait3A_139 = tpu.memref_slice %arg2[%add3A_123, %dma_wait3A_138] : memref<320000x128xf32, #tpu.memory_space<hbm>> -> memref<80x128xf32, #tpu.memory_space<hbm>>
    tpu.wait_dma2 semaphore(%dma_wait3A_133 : memref<!tpu.dma_semaphore, #tpu.memory_space<semaphore_mem>>) src(%dma_wait3A_139 : memref<80x128xf32, #tpu.memory_space<hbm>>) dst(%dma_wait3A_137 : memref<80x128xf32, #tpu.memory_space<vmem>>)
    %dma_start3A_140 = arith.constant 0 : i32
    %dma_start3A_141 = arith.constant 123 : i32
    %dma_start3A_142 = arith.constant 0 : i32
    %dma_start3A_143 = arith.constant 0 : i32
    %dma_start3A_144 = arith.constant 0 : i32
    %dma_start3A_145 = tpu.memref_slice %arg6[%dma_start3A_140, %dma_start3A_143, %dma_start3A_144] : memref<3x80x128xf32, #tpu.memory_space<vmem>> -> memref<1x80x128xf32, #tpu.memory_space<vmem>>
    %dma_start3A_146 = tpu.memref_squeeze %dma_start3A_145 : memref<1x80x128xf32, #tpu.memory_space<vmem>> -> memref<80x128xf32, #tpu.memory_space<vmem>>
    %dma_start3A_147 = arith.constant 0 : i32
    %dma_start3A_148 = tpu.memref_slice %arg5[%dma_start3A_141, %dma_start3A_147] : memref<125x80xi32, #tpu.memory_space<vmem>> -> memref<1x80xi32, #tpu.memory_space<vmem>>
    %dma_start3A_149 = tpu.memref_squeeze %dma_start3A_148 : memref<1x80xi32, #tpu.memory_space<vmem>> -> memref<80xi32, #tpu.memory_space<vmem>>
    %dma_start3A_150 = arith.constant 0 : i32
    %dma_start3A_151 = arith.constant 0 : i32
    %dma_start3A_152 = tpu.memref_slice %arg8[%dma_start3A_150, %dma_start3A_151] : memref<10000x128xf32, #tpu.memory_space<vmem_shared>> -> memref<10000x128xf32, #tpu.memory_space<vmem_shared>>
    %dma_start3A_153 = tpu.memref_slice %arg10[%dma_start3A_142] : memref<3x!tpu.dma_semaphore, #tpu.memory_space<semaphore_mem>> -> memref<1x!tpu.dma_semaphore, #tpu.memory_space<semaphore_mem>>
    %dma_start3A_154 = tpu.memref_squeeze %dma_start3A_153 : memref<1x!tpu.dma_semaphore, #tpu.memory_space<semaphore_mem>> -> memref<!tpu.dma_semaphore, #tpu.memory_space<semaphore_mem>>
    tpu.enqueue_indirect_dma source(%dma_start3A_146 : memref<80x128xf32, #tpu.memory_space<vmem>>) target(%dma_start3A_152 : memref<10000x128xf32, #tpu.memory_space<vmem_shared>>) offsets(%dma_start3A_149 : memref<80xi32, #tpu.memory_space<vmem>>) semaphore(%dma_start3A_154 : memref<!tpu.dma_semaphore, #tpu.memory_space<semaphore_mem>>) {add = true}
    %add3A_155 = arith.constant 9920 : i32
    %add3A_156 = arith.addi %mul3A_2, %add3A_155 : i32
    %dma_wait3A_157 = arith.constant 1 : i32
    %dma_wait3A_158 = arith.constant 1 : i32
    %dma_wait3A_159 = arith.constant 0 : i32
    %dma_wait3A_160 = arith.constant 0 : i32
    %dma_wait3A_161 = tpu.memref_slice %arg6[%dma_wait3A_157, %dma_wait3A_159, %dma_wait3A_160] : memref<3x80x128xf32, #tpu.memory_space<vmem>> -> memref<1x80x128xf32, #tpu.memory_space<vmem>>
    %dma_wait3A_162 = tpu.memref_squeeze %dma_wait3A_161 : memref<1x80x128xf32, #tpu.memory_space<vmem>> -> memref<80x128xf32, #tpu.memory_space<vmem>>
    %dma_wait3A_163 = arith.constant 0 : i32
    %dma_wait3A_164 = tpu.memref_slice %arg2[%add3A_156, %dma_wait3A_163] : memref<320000x128xf32, #tpu.memory_space<hbm>> -> memref<80x128xf32, #tpu.memory_space<hbm>>
    %dma_wait3A_165 = tpu.memref_slice %arg9[%dma_wait3A_158] : memref<3x!tpu.dma_semaphore, #tpu.memory_space<semaphore_mem>> -> memref<1x!tpu.dma_semaphore, #tpu.memory_space<semaphore_mem>>
    %dma_wait3A_166 = tpu.memref_squeeze %dma_wait3A_165 : memref<1x!tpu.dma_semaphore, #tpu.memory_space<semaphore_mem>> -> memref<!tpu.dma_semaphore, #tpu.memory_space<semaphore_mem>>
    %dma_wait3A_167 = arith.constant 0 : i32
    %dma_wait3A_168 = arith.constant 0 : i32
    %dma_wait3A_169 = tpu.memref_slice %arg6[%dma_wait3A_157, %dma_wait3A_167, %dma_wait3A_168] : memref<3x80x128xf32, #tpu.memory_space<vmem>> -> memref<1x80x128xf32, #tpu.memory_space<vmem>>
    %dma_wait3A_170 = tpu.memref_squeeze %dma_wait3A_169 : memref<1x80x128xf32, #tpu.memory_space<vmem>> -> memref<80x128xf32, #tpu.memory_space<vmem>>
    %dma_wait3A_171 = arith.constant 0 : i32
    %dma_wait3A_172 = tpu.memref_slice %arg2[%add3A_156, %dma_wait3A_171] : memref<320000x128xf32, #tpu.memory_space<hbm>> -> memref<80x128xf32, #tpu.memory_space<hbm>>
    tpu.wait_dma2 semaphore(%dma_wait3A_166 : memref<!tpu.dma_semaphore, #tpu.memory_space<semaphore_mem>>) src(%dma_wait3A_172 : memref<80x128xf32, #tpu.memory_space<hbm>>) dst(%dma_wait3A_170 : memref<80x128xf32, #tpu.memory_space<vmem>>)
    %dma_start3A_173 = arith.constant 1 : i32
    %dma_start3A_174 = arith.constant 124 : i32
    %dma_start3A_175 = arith.constant 1 : i32
    %dma_start3A_176 = arith.constant 0 : i32
    %dma_start3A_177 = arith.constant 0 : i32
    %dma_start3A_178 = tpu.memref_slice %arg6[%dma_start3A_173, %dma_start3A_176, %dma_start3A_177] : memref<3x80x128xf32, #tpu.memory_space<vmem>> -> memref<1x80x128xf32, #tpu.memory_space<vmem>>
    %dma_start3A_179 = tpu.memref_squeeze %dma_start3A_178 : memref<1x80x128xf32, #tpu.memory_space<vmem>> -> memref<80x128xf32, #tpu.memory_space<vmem>>
    %dma_start3A_180 = arith.constant 0 : i32
    %dma_start3A_181 = tpu.memref_slice %arg5[%dma_start3A_174, %dma_start3A_180] : memref<125x80xi32, #tpu.memory_space<vmem>> -> memref<1x80xi32, #tpu.memory_space<vmem>>
    %dma_start3A_182 = tpu.memref_squeeze %dma_start3A_181 : memref<1x80xi32, #tpu.memory_space<vmem>> -> memref<80xi32, #tpu.memory_space<vmem>>
    %dma_start3A_183 = arith.constant 0 : i32
    %dma_start3A_184 = arith.constant 0 : i32
    %dma_start3A_185 = tpu.memref_slice %arg8[%dma_start3A_183, %dma_start3A_184] : memref<10000x128xf32, #tpu.memory_space<vmem_shared>> -> memref<10000x128xf32, #tpu.memory_space<vmem_shared>>
    %dma_start3A_186 = tpu.memref_slice %arg10[%dma_start3A_175] : memref<3x!tpu.dma_semaphore, #tpu.memory_space<semaphore_mem>> -> memref<1x!tpu.dma_semaphore, #tpu.memory_space<semaphore_mem>>
    %dma_start3A_187 = tpu.memref_squeeze %dma_start3A_186 : memref<1x!tpu.dma_semaphore, #tpu.memory_space<semaphore_mem>> -> memref<!tpu.dma_semaphore, #tpu.memory_space<semaphore_mem>>
    tpu.enqueue_indirect_dma source(%dma_start3A_179 : memref<80x128xf32, #tpu.memory_space<vmem>>) target(%dma_start3A_185 : memref<10000x128xf32, #tpu.memory_space<vmem_shared>>) offsets(%dma_start3A_182 : memref<80xi32, #tpu.memory_space<vmem>>) semaphore(%dma_start3A_187 : memref<!tpu.dma_semaphore, #tpu.memory_space<semaphore_mem>>) {add = true}
    %dma_wait3A_188 = arith.constant 0 : i32
    %dma_wait3A_189 = arith.constant 123 : i32
    %dma_wait3A_190 = arith.constant 0 : i32
    %dma_wait3A_191 = arith.constant 0 : i32
    %dma_wait3A_192 = arith.constant 0 : i32
    %dma_wait3A_193 = tpu.memref_slice %arg6[%dma_wait3A_188, %dma_wait3A_191, %dma_wait3A_192] : memref<3x80x128xf32, #tpu.memory_space<vmem>> -> memref<1x80x128xf32, #tpu.memory_space<vmem>>
    %dma_wait3A_194 = tpu.memref_squeeze %dma_wait3A_193 : memref<1x80x128xf32, #tpu.memory_space<vmem>> -> memref<80x128xf32, #tpu.memory_space<vmem>>
    %dma_wait3A_195 = arith.constant 0 : i32
    %dma_wait3A_196 = tpu.memref_slice %arg5[%dma_wait3A_189, %dma_wait3A_195] : memref<125x80xi32, #tpu.memory_space<vmem>> -> memref<1x80xi32, #tpu.memory_space<vmem>>
    %dma_wait3A_197 = tpu.memref_squeeze %dma_wait3A_196 : memref<1x80xi32, #tpu.memory_space<vmem>> -> memref<80xi32, #tpu.memory_space<vmem>>
    %dma_wait3A_198 = arith.constant 0 : i32
    %dma_wait3A_199 = arith.constant 0 : i32
    %dma_wait3A_200 = tpu.memref_slice %arg8[%dma_wait3A_198, %dma_wait3A_199] : memref<10000x128xf32, #tpu.memory_space<vmem_shared>> -> memref<10000x128xf32, #tpu.memory_space<vmem_shared>>
    %dma_wait3A_201 = tpu.memref_slice %arg10[%dma_wait3A_190] : memref<3x!tpu.dma_semaphore, #tpu.memory_space<semaphore_mem>> -> memref<1x!tpu.dma_semaphore, #tpu.memory_space<semaphore_mem>>
    %dma_wait3A_202 = tpu.memref_squeeze %dma_wait3A_201 : memref<1x!tpu.dma_semaphore, #tpu.memory_space<semaphore_mem>> -> memref<!tpu.dma_semaphore, #tpu.memory_space<semaphore_mem>>
    tpu.wait_indirect_dma semaphore(%dma_wait3A_202 : memref<!tpu.dma_semaphore, #tpu.memory_space<semaphore_mem>>) src(%dma_wait3A_194 : memref<80x128xf32, #tpu.memory_space<vmem>>) dst(%dma_wait3A_200 : memref<10000x128xf32, #tpu.memory_space<vmem_shared>>)
    %dma_wait3A_203 = arith.constant 1 : i32
    %dma_wait3A_204 = arith.constant 124 : i32
    %dma_wait3A_205 = arith.constant 1 : i32
    %dma_wait3A_206 = arith.constant 0 : i32
    %dma_wait3A_207 = arith.constant 0 : i32
    %dma_wait3A_208 = tpu.memref_slice %arg6[%dma_wait3A_203, %dma_wait3A_206, %dma_wait3A_207] : memref<3x80x128xf32, #tpu.memory_space<vmem>> -> memref<1x80x128xf32, #tpu.memory_space<vmem>>
    %dma_wait3A_209 = tpu.memref_squeeze %dma_wait3A_208 : memref<1x80x128xf32, #tpu.memory_space<vmem>> -> memref<80x128xf32, #tpu.memory_space<vmem>>
    %dma_wait3A_210 = arith.constant 0 : i32
    %dma_wait3A_211 = tpu.memref_slice %arg5[%dma_wait3A_204, %dma_wait3A_210] : memref<125x80xi32, #tpu.memory_space<vmem>> -> memref<1x80xi32, #tpu.memory_space<vmem>>
    %dma_wait3A_212 = tpu.memref_squeeze %dma_wait3A_211 : memref<1x80xi32, #tpu.memory_space<vmem>> -> memref<80xi32, #tpu.memory_space<vmem>>
    %dma_wait3A_213 = arith.constant 0 : i32
    %dma_wait3A_214 = arith.constant 0 : i32
    %dma_wait3A_215 = tpu.memref_slice %arg8[%dma_wait3A_213, %dma_wait3A_214] : memref<10000x128xf32, #tpu.memory_space<vmem_shared>> -> memref<10000x128xf32, #tpu.memory_space<vmem_shared>>
    %dma_wait3A_216 = tpu.memref_slice %arg10[%dma_wait3A_205] : memref<3x!tpu.dma_semaphore, #tpu.memory_space<semaphore_mem>> -> memref<1x!tpu.dma_semaphore, #tpu.memory_space<semaphore_mem>>
    %dma_wait3A_217 = tpu.memref_squeeze %dma_wait3A_216 : memref<1x!tpu.dma_semaphore, #tpu.memory_space<semaphore_mem>> -> memref<!tpu.dma_semaphore, #tpu.memory_space<semaphore_mem>>
    tpu.wait_indirect_dma semaphore(%dma_wait3A_217 : memref<!tpu.dma_semaphore, #tpu.memory_space<semaphore_mem>>) src(%dma_wait3A_209 : memref<80x128xf32, #tpu.memory_space<vmem>>) dst(%dma_wait3A_215 : memref<10000x128xf32, #tpu.memory_space<vmem_shared>>)
    %barrier3A_218 = arith.constant 0 : index
    tpu.barrier barrier_id(%barrier3A_218)
    %mul3A_219 = arith.constant 10000 : i32
    %mul3A_220 = arith.muli %arg0, %mul3A_219 : i32
    %add3A_221 = arith.addi %mul3A_220, %mul3A_81 : i32
    "tpu.region"() ({
      %run_scoped3A = tpu.sem_alloc : memref<!tpu.dma_semaphore, #tpu.memory_space<semaphore_mem>>
      %dma_start3A_227 = arith.constant 0 : i32
      %dma_start3A_228 = tpu.memref_slice %arg4[%add3A_221, %dma_start3A_227] : memref<20000x128xf32, #tpu.memory_space<hbm>> -> memref<624x128xf32, #tpu.memory_space<hbm>>
      %dma_start3A_229 = arith.constant 0 : i32
      %dma_start3A_230 = tpu.memref_slice %arg8[%mul3A_81, %dma_start3A_229] : memref<10000x128xf32, #tpu.memory_space<vmem_shared>> -> memref<624x128xf32, #tpu.memory_space<vmem_shared>>
      tpu.enqueue_dma source(%dma_start3A_230 : memref<624x128xf32, #tpu.memory_space<vmem_shared>>) target(%dma_start3A_228 : memref<624x128xf32, #tpu.memory_space<hbm>>) target_semaphore(%run_scoped3A : memref<!tpu.dma_semaphore, #tpu.memory_space<semaphore_mem>>)
      %dma_wait3A_231 = arith.constant 0 : i32
      %dma_wait3A_232 = tpu.memref_slice %arg4[%add3A_221, %dma_wait3A_231] : memref<20000x128xf32, #tpu.memory_space<hbm>> -> memref<624x128xf32, #tpu.memory_space<hbm>>
      %dma_wait3A_233 = arith.constant 0 : i32
      %dma_wait3A_234 = tpu.memref_slice %arg8[%mul3A_81, %dma_wait3A_233] : memref<10000x128xf32, #tpu.memory_space<vmem_shared>> -> memref<624x128xf32, #tpu.memory_space<vmem_shared>>
      tpu.wait_dma2 semaphore(%run_scoped3A : memref<!tpu.dma_semaphore, #tpu.memory_space<semaphore_mem>>) src(%dma_wait3A_234 : memref<624x128xf32, #tpu.memory_space<vmem_shared>>) dst(%dma_wait3A_232 : memref<624x128xf32, #tpu.memory_space<hbm>>)
      tpu.yield
    }) : () -> ()
    %eq3A_222 = arith.constant 15 : i32
    %eq3A_223 = arith.cmpi eq, %arg1, %eq3A_222 : i32
    %convert_element_type3A_224 = arith.extui %eq3A_223 : i1 to i32
    %cond3A_225 = arith.constant 0 : i32
    %cond3A_226 = arith.cmpi ne, %convert_element_type3A_224, %cond3A_225 : i32
    scf.if %cond3A_226 {
      %mul3A_227 = arith.constant 10000 : i32
      %mul3A_228 = arith.muli %arg0, %mul3A_227 : i32
      %add3A_229 = arith.constant 9984 : i32
      %add3A_230 = arith.addi %mul3A_228, %add3A_229 : i32
      "tpu.region"() ({
        %run_scoped3A = tpu.sem_alloc : memref<!tpu.dma_semaphore, #tpu.memory_space<semaphore_mem>>
        %dma_start3A_231 = arith.constant 0 : i32
        %dma_start3A_232 = tpu.memref_slice %arg4[%add3A_230, %dma_start3A_231] : memref<20000x128xf32, #tpu.memory_space<hbm>> -> memref<16x128xf32, #tpu.memory_space<hbm>>
        %dma_start3A_233 = arith.constant 9984 : i32
        %dma_start3A_234 = arith.constant 0 : i32
        %dma_start3A_235 = tpu.memref_slice %arg8[%dma_start3A_233, %dma_start3A_234] : memref<10000x128xf32, #tpu.memory_space<vmem_shared>> -> memref<16x128xf32, #tpu.memory_space<vmem_shared>>
        tpu.enqueue_dma source(%dma_start3A_235 : memref<16x128xf32, #tpu.memory_space<vmem_shared>>) target(%dma_start3A_232 : memref<16x128xf32, #tpu.memory_space<hbm>>) target_semaphore(%run_scoped3A : memref<!tpu.dma_semaphore, #tpu.memory_space<semaphore_mem>>)
        %dma_wait3A_236 = arith.constant 0 : i32
        %dma_wait3A_237 = tpu.memref_slice %arg4[%add3A_230, %dma_wait3A_236] : memref<20000x128xf32, #tpu.memory_space<hbm>> -> memref<16x128xf32, #tpu.memory_space<hbm>>
        %dma_wait3A_238 = arith.constant 9984 : i32
        %dma_wait3A_239 = arith.constant 0 : i32
        %dma_wait3A_240 = tpu.memref_slice %arg8[%dma_wait3A_238, %dma_wait3A_239] : memref<10000x128xf32, #tpu.memory_space<vmem_shared>> -> memref<16x128xf32, #tpu.memory_space<vmem_shared>>
        tpu.wait_dma2 semaphore(%run_scoped3A : memref<!tpu.dma_semaphore, #tpu.memory_space<semaphore_mem>>) src(%dma_wait3A_240 : memref<16x128xf32, #tpu.memory_space<vmem_shared>>) dst(%dma_wait3A_237 : memref<16x128xf32, #tpu.memory_space<hbm>>)
        tpu.yield
      }) : () -> ()
    } else {
    }
    return
  }
}

module attributes {stable_mosaic.version = 14 : i64} {
  func.func @_combine_body(%arg0: i32, %arg1: memref<2x2000x128xf32, #tpu.memory_space<vmem>>, %arg2: memref<2000x128xf32, #tpu.memory_space<vmem>>) attributes {dimension_semantics = [#tpu.dimension_semantics<arbitrary>], iteration_bounds = array<i64: 5>, scalar_prefetch = 0 : i64, scratch_operands = 0 : i64, tpu.core_type = #tpu.core_type<tc>, window_params = [{transform_indices = @transform_0, window_bounds = array<i64: 2, 2000, 128>}, {transform_indices = @transform_1, window_bounds = array<i64: 2000, 128>}]} {
    %get3A = arith.constant 0 : index
    %get3A_0 = arith.constant 0 : index
    %get3A_1 = arith.constant 0 : index
    %get3A_2 = vector.load %arg1[%get3A, %get3A_0, %get3A_1] : memref<2x2000x128xf32, #tpu.memory_space<vmem>>, vector<1x2000x128xf32>
    %get3A_3 = vector.shape_cast %get3A_2 : vector<1x2000x128xf32> to vector<2000x128xf32>
    %get3A_4 = arith.constant 1 : index
    %get3A_5 = arith.constant 0 : index
    %get3A_6 = arith.constant 0 : index
    %get3A_7 = vector.load %arg1[%get3A_4, %get3A_5, %get3A_6] : memref<2x2000x128xf32, #tpu.memory_space<vmem>>, vector<1x2000x128xf32>
    %get3A_8 = vector.shape_cast %get3A_7 : vector<1x2000x128xf32> to vector<2000x128xf32>
    %add3A = arith.addf %get3A_3, %get3A_8 : vector<2000x128xf32>
    %mul3A = arith.constant 0.176776692 : f32
    %mul3A_9 = vector.broadcast %mul3A : f32 to vector<2000x128xf32>
    %mul3A_10 = arith.mulf %add3A, %mul3A_9 : vector<2000x128xf32>
    %swap3A = arith.constant 0 : index
    %swap3A_11 = arith.constant 0 : index
    %swap3A_12 = vector.load %arg2[%swap3A, %swap3A_11] : memref<2000x128xf32, #tpu.memory_space<vmem>>, vector<2000x128xf32>
    tpu.vector_store %arg2[%swap3A, %swap3A_11], %mul3A_10 {strides = array<i32>} : memref<2000x128xf32, #tpu.memory_space<vmem>>, vector<2000x128xf32>,
    return
  }
  func.func @transform_0(%arg0: i32) -> (i32, i32, i32) {
    %c0_i32 = arith.constant 0 : i32
    %c0_i32_0 = arith.constant 0 : i32
    %c0_i32_1 = arith.constant 0 : i32
    return %c0_i32, %arg0, %c0_i32_0 : i32, i32, i32
  }
  func.func @transform_1(%arg0: i32) -> (i32, i32) {
    %c0_i32 = arith.constant 0 : i32
    %c0_i32_0 = arith.constant 0 : i32
    return %arg0, %c0_i32 : i32, i32
  }
}

</mosaic_0001>

<sc_bundles>
// kernel: kernel.4.cloned.1.call-start
scs
__scs_entry_jumppad:
0x0: {  	(pc) =	sbr.rel $0x88, $3  }
0x1: {  	(tag) =	ssettag $0x0;
	lr =	simm.s32 $0x1  }
0x2: {  	[smem:$0x3F9F] =	sst lr;
	_ =	strace $0xD0000000  }
0x3: {  	_ = 	snop  }
0x4: {  	_ = 	snop  }
0x5: {  	_ = 	snop  }
0x6: {  	_ = 	snop  }
0x7: {  	_ = 	snop  }
__scs_overlays_trampoline_lowered:
0x8: {  	[smem:$0x3FAE] =	sst s0  }
0x9: {  	[smem:$0x3FAF] =	sst s1  }
0xa: {  	[smem:$0x3FB0] =	sst s2  }
0xb: {  	[smem:$0x3FB1] =	sst s3  }
0xc: {  	[smem:$0x3FB2] =	sst s4  }
0xd: {  	[smem:$0x3FB3] =	sst s5  }
0xe: {  	[smem:$0x3FB4] =	sst s6  }
0xf: {  	[smem:$0x3FB5] =	sst s7  }
0x10: {  	[smem:$0x3FB6] =	sst s8  }
0x11: {  	[smem:$0x3FB7] =	sst s9;
	s0 =	simm.s32 @!p0 $0x0  }
0x12: {  	s1 =	sld [smem:$0x3F9D];
	s0 =	simm.s32 @p0 $0x1  }
0x13: {  	[smem:$0x3FB8] =	sst s0;
	s0 =	simm.s32 @!p1 $0x0  }
0x14: {  	s2 =	sld [smem:$0x3F9C];
	s0 =	simm.s32 @p1 $0x1  }
0x15: {  	[smem:$0x3FB9] =	sst s0;
	s0 =	simm.s32 @!p2 $0x0  }
0x16: {  	s3 =	sld [smem:$0x3FDB];
	s0 =	simm.s32 @p2 $0x1  }
0x17: {  	s4 =	simm.s32 $0x1BF5;
	[smem:$0x3FBB] =	sst s0  }
0x18: {  	s0 =	sld [smem:$0x3F9E];
	_ =	swait.ge [sflag:s4], $0x0  }
0x19: {  	s7 =	sld [smem:$0x3F9F]  }
0x1a: {  	s8 =	sadd.s32 $0xFFFFE003, lr  }
0x1b: {  	s9 =	sadd.s32 $0xFFFFFEF7, lr;
	s5 =	simm.s32 $0xFFFFFFFF;
	p2 =	slt.u32 s8, $0xFFFFF086  }
0x1c: {  	p1 =	slt.u32 s9, $0xF7A;
	s5 =	simm.s32 @!p2 $0x0  }
0x1d: {  	s5 =	simm.s32 @p1 $0x1;
	p0 =	seq.s32 s7, s2  }
0x1e: {  	s7 =	smul.u32 @!p0 $0xF7A, s2;
	p2 =	seq.s32 @!p0 s5, $0x0  }
0x1f: {  	s9 =	smul.u32 $0xF7A, s1;
	s8 =	simm.s32 @!p0 $0x1BF5;
	p2 =	por !p2, p0  }
0x20: {  	[sflag:s8] =	ssyncset.s32 @!p0 $0xFFFFF086;
	s6 =	sadd.s32 @!p0 s3, s7;
	s7 =	simm.s32 @!p0 $0x108  }
0x21: {  	s3 =	sadd.s32 s3, s9;
	s6 =	sadd.s32 @!p0 $0x88, s6;
	s7 =	simm.s32 @p2 $0x1082  }
0x22: {  	[simem:s7], [sflag:s8] =	dma.local @!p0 [hbm:s6], $0xF7A  }
0x23: {  	s9 =	sor.u32 $0xD0000000, s2;
	s6 =	simm.s32 $0x108;
	_ =	swait.ge @!p0 [sflag:s8], $0x0  }
0x24: {  	s3 =	sadd.s32 $0x88, s3;
	s6 =	simm.s32 @!p1 $0x1082;
	[sflag:s4] =	ssyncset.s32 $0xFFFFF086  }
0x25: {  	[simem:s6], [sflag:s4] =	dma.local [hbm:s3], $0xF7A  }
0x26: {  	[smem:$0x3F9F] =	sst s1;
	(tag) =	ssettag s2;
	_ =	strace s9  }
0x27: {  	s1 =	sld [smem:$0x3FAF]  }
0x28: {  	s2 =	sld [smem:$0x3FB0]  }
0x29: {  	s4 =	sld [smem:$0x3FB2]  }
0x2a: {  	p0 =	seq.s32 s5, $0x0;
	s5 =	sld [smem:$0x3FB3]  }
0x2b: {  	s6 =	sld [smem:$0x3FB4]  }
0x2c: {  	s7 =	sld [smem:$0x3FB5]  }
0x2d: {  	s3 =	simm.s32 $0x108;
	s8 =	sld [smem:$0x3FB6]  }
0x2e: {  	s3 =	simm.s32 @!p0 $0x1082;
	s9 =	sld [smem:$0x3FB7]  }
0x2f: {  	lr =	sadd.s32 s0, s3;
	s0 =	sld [smem:$0x3FAE]  }
0x30: {  	s3 =	sld [smem:$0x3FB1]  }
0x31: {  	[smem:$0x3FBA] =	sst s10  }
0x32: {  	s10 =	sld [smem:$0x3FB8];
	_ =	sdelay $0x3  }
0x33: {  	p0 =	seq.s32 s10, $0x1;
	s10 =	sld [smem:$0x3FBA];
	_ =	sdelay $0x3  }
0x34: {  	[smem:$0x3FBA] =	sst s10  }
0x35: {  	s10 =	sld [smem:$0x3FB9];
	_ =	sdelay $0x3  }
0x36: {  	p1 =	seq.s32 s10, $0x1;
	s10 =	sld [smem:$0x3FBA];
	_ =	sdelay $0x3  }
0x37: {  	[smem:$0x3FBA] =	sst s10  }
0x38: {  	s10 =	sld [smem:$0x3FBB]  }
0x39: {  	_ = 	snop;
	(pc) =	sbr.ind lr, $3  }
0x3a: {  	_ = 	snop  }
0x3b: {  	_ = 	snop  }
0x3c: {  	p2 =	seq.s32 s10, $0x1;
	s10 =	sld [smem:$0x3FBA]  }
0x3d: {  	_ =	shalt  }
0x3e: {  	_ =	shalt  }
0x3f: {  	_ =	shalt  }
0x40: {  	_ =	shalt  }
0x41: {  	_ =	shalt  }
0x42: {  	_ =	shalt  }
0x43: {  	_ =	shalt  }
0x44: {  	_ =	shalt  }
0x45: {  	_ =	shalt  }
0x46: {  	_ =	shalt  }
0x47: {  	_ =	shalt  }
0x48: {  	_ =	shalt  }
0x49: {  	_ =	shalt  }
0x4a: {  	_ =	shalt  }
0x4b: {  	_ =	shalt  }
0x4c: {  	_ =	shalt  }
0x4d: {  	_ =	shalt  }
0x4e: {  	_ =	shalt  }
0x4f: {  	_ =	shalt  }
0x50: {  	_ =	shalt  }
0x51: {  	_ =	shalt  }
0x52: {  	_ =	shalt  }
0x53: {  	_ =	shalt  }
0x54: {  	_ =	shalt  }
0x55: {  	_ =	shalt  }
0x56: {  	_ =	shalt  }
0x57: {  	_ =	shalt  }
0x58: {  	_ =	shalt  }
0x59: {  	_ =	shalt  }
0x5a: {  	_ =	shalt  }
0x5b: {  	_ =	shalt  }
0x5c: {  	_ =	shalt  }
0x5d: {  	_ =	shalt  }
0x5e: {  	_ =	shalt  }
0x5f: {  	_ =	shalt  }
0x60: {  	_ =	shalt  }
0x61: {  	_ =	shalt  }
0x62: {  	_ =	shalt  }
0x63: {  	_ =	shalt  }
0x64: {  	_ =	shalt  }
0x65: {  	_ =	shalt  }
0x66: {  	_ =	shalt  }
0x67: {  	_ =	shalt  }
0x68: {  	_ =	shalt  }
0x69: {  	_ =	shalt  }
0x6a: {  	_ =	shalt  }
0x6b: {  	_ =	shalt  }
0x6c: {  	_ =	shalt  }
0x6d: {  	_ =	shalt  }
0x6e: {  	_ =	shalt  }
0x6f: {  	_ =	shalt  }
0x70: {  	_ =	shalt  }
0x71: {  	_ =	shalt  }
0x72: {  	_ =	shalt  }
0x73: {  	_ =	shalt  }
0x74: {  	_ =	shalt  }
0x75: {  	_ =	shalt  }
0x76: {  	_ =	shalt  }
0x77: {  	_ =	shalt  }
0x78: {  	_ =	shalt  }
0x79: {  	_ =	shalt  }
0x7a: {  	_ =	shalt  }
0x7b: {  	_ =	shalt  }
0x7c: {  	_ =	shalt  }
0x7d: {  	_ =	shalt  }
0x7e: {  	_ =	shalt  }
0x7f: {  	_ =	shalt  }
0x80: {  	_ =	shalt  }
0x81: {  	_ =	shalt  }
0x82: {  	_ =	shalt  }
0x83: {  	_ =	shalt  }
0x84: {  	_ =	shalt  }
0x85: {  	_ =	shalt  }
0x86: {  	_ =	shalt  }
0x87: {  	_ =	shalt  }
.Lfunc_end0:
.L_simem_size_0:
called_computation_lowered:
.L_overlay_start_0:
0x88: {  	s2 =	sld [smem:$0x3FD9]  }
0x89: {  	s3 =	sld [smem:$0x3FFE];
	_ =	sdelay $0x1  }
0x8a: {  	s1 =	srdreg.scid  }
0x8b: {  	s0 =	sand.u32 $0x1, s1  }
0x8c: {  	s17 =	sshll.u32 s0, $0xA;
	s2 =	sadd.s32 s3, s2  }
0x8d: {  	s2 =	sadd.s32 s2, s17  }
0x8e: {  	[smem:$0x3FC6] =	sst s2  }
0x8f: {  	_ = 	snop  }
0x90: {  	s2 =	sld [smem:$0x3FC9]  }
0x91: {  	s18 =	sld [smem:$0x3FD0];
	(tm) =	ssettm $0x1  }
0x92: {  	s4 =	sld [smem:$0x3FFB];
	_ =	sdelay $0x3  }
0x93: {  	_ =	strace s4  }
0x94: {  	s4 =	sld [smem:$0x3FFC];
	_ =	sdelay $0x3  }
0x95: {  	_ =	strace s4  }
0x96: {  	s4 =	sld [smem:$0x3FFD];
	_ =	sdelay $0x3  }
0x97: {  	_ =	strace s4  }
0x98: {  	_ =	strace $0x8FFFFFFF  }
0x99: {  	s19 =	sld [smem:$0x3FDB];
	_ =	sdelay $0x1  }
0x9a: {  	s5 =	simm.s32 $_scs_section_size  }
0x9b: {  	s6 =	simm.s32 $_size__tile_overlayer_lowered;
	s7 =	simm.s32 $_tile_overlayer_lowered  }
0x9c: {  	s22 =	simm.s32 $0x1BFF;
	s21 =	sshll.u32 s7, $0x1;
	s4 =	sadd.s32 s5, s19  }
0x9d: {  	s8 =	simm.s32 $0x0;
	s20 =	sshll.u32 s6, $0x1;
	s6 =	sadd.s32 s21, s4  }
0x9e: {  	[timem:s8], [sflag:s22] =	dma.local [hbm:s6], s20  }
0x9f: {  	_ =	swait.ge [sflag:s22], s20  }
0xa0: {  	s5 =	ssub.s32 $0x0, s20;
	[sflag:s22] =	ssyncset.done $0x0  }
0xa1: {  	[sflag:s22] =	ssyncadd.s32 s5;
	_ =	sdelay $0x1  }
0xa2: {  	s23 =	simm.s32 $0x1B8B  }
0xa3: {  	_ =	swait.ge [sflag:s23], $0x1  }
0xa4: {  	[sflag:s23] =	ssyncset.done $0x0  }
0xa5: {  	s25 =	simm.s32 $0x1B8E;
	s24 =	sld [smem:$0x3FFE];
	[sflag:s23] =	ssyncadd.s32 $0xFFFFFFFF  }
0xa6: {  	s26 =	simm.s32 $execute0_lowered;
	[smem:$0x3FD2] =	sst s25  }
0xa7: {  	s6 =	sshll.u32 s26, $0x1;
	_ =	strace $0x80000046;
	[dreg:$0x1] =	wrdreg $0xFFFFFFFF  }
0xa8: {  	s28 =	simm.s32 $_size_execute0_lowered;
	s4 =	sadd.s32 s4, s6;
	[dreg:$0x0] =	wrdreg $0x0  }
0xa9: {  	s6 =	sshll.u32 s28, $0x1;
	[dreg:$0x2] =	wrdreg s4  }
0xaa: {  	[dreg:$0x3] =	wrdreg s6  }
0xab: {  	[dreg:$0x4] =	wrdreg $0xC0  }
0xac: {  	_ =	task [dreg:s8], $0x5FFFF  }
0xad: {  	[dreg:$0x1] =	wrdreg $0xFFFFFFFF  }
0xae: {  	[dreg:$0x0] =	wrdreg $0x60  }
0xaf: {  	[dreg:$0x2] =	wrdreg s2  }
0xb0: {  	[dreg:$0x3] =	wrdreg s18  }
0xb1: {  	[dreg:$0x4] =	wrdreg s24  }
0xb2: {  	[dreg:$0x5] =	wrdreg $0xC0000  }
0xb3: {  	[dreg:$0x6] =	wrdreg $0x9  }
0xb4: {  	_ =	task.clear_ibuf [dreg:s8], $0x7FFFF;
	_ =	strace $0x90000046  }
0xb5: {  	s29 =	simm.s32 $0x9;
	_ =	strace $0x80000048  }
0xb6: {  	_ =	swait.ge [sflag:s29], $0x1  }
0xb7: {  	[sflag:s29] =	ssyncadd.s32 $0xFFFFFFFF  }
0xb8: {  	_ =	strace $0x90000048  }
0xb9: {  	_ =	sfence  }
0xba: {  	s30 =	sld [smem:$0x0];
	_ =	sdelay $0x2  }
0xbb: {  	s31 =	sshll.u32 s1, $0xD;
	s1 =	sshrl.u32 s1, $0x2  }
0xbc: {  	s3 =	sand.u32 $0x4000, s31;
	s1 =	sadd.s32 s1, s30  }
0xbd: {  	s0 =	sor.u32 s3, s0;
	s1 =	sshll.u32 s1, $0x11  }
0xbe: {  	s0 =	sor.u32 s1, s0  }
0xbf: {  	s0 =	sadd.s32 $0x8F2B, s0  }
0xc0: {  	[sflag:s0] =	ssyncadd.remote.s32 $0x1  }
0xc1: {  	_ =	sfence.sel $0xFFFF  }
0xc2: {  	[dreg:$0x0] =	wrdreg $0xFFFFFFFF;
	(pc) =	sbr.abs _section_cstart, $3  }
0xc3: {  	[dreg:$0x1] =	wrdreg $0xFFFFFFFF  }
0xc4: {  	_ =	task.clear_ibuf [dreg:s8], $0x2FFFF;
	_ =	strace $0x9FFFFFFF  }
0xc5: {  	(tm) =	ssettm $0x7FFFFFFF  }
tec
execute0_lowered:
.L_overlay_start_1:
0x0: {  	(tag) =	ssettag $0x1  }
0x1: {  	s0 =	rddreg [dreg:$0x0]  }
0x2: {  	s2 =	rddreg [dreg:$0x1]  }
0x3: {  	s4 =	rddreg [dreg:$0x2]  }
0x4: {  	s1 =	rddreg [dreg:$0x3]  }
0x5: {  	s3 =	srdreg.scid;
	s13 =	stileid.u32  }
0x6: {  	s5 =	sand.u32 $0x1, s3;
	s3 =	simm.s32 $0x0;
	s11 =	smul.u32 $0x2700, s13  }
0x7: {  	s4 =	sadd.s32 $0x600, s4;
	s21 =	smul.u32 $0x4E000, s13;
	s6 =	sshll.u32 s5, $0x4  }
0x8: {  	[smem:$0x7FF] =	sst s3;
	s7 =	ssub.s32 $0x2, s5;
	s23 =	smul.u32 $0x138800, s5  }
0x9: {  	s12 =	smul.u32 $0x27100, s5;
	s6 =	sor.u32 s13, s6;
	_ =	strace $0x80000047  }
0xa: {  	s9 =	sshrl.u32 s7, $0x1;
	s24 =	sshrl.u32 s21, $0x2;
	s8 =	smul.u32 $0x138800, s6  }
0xb: {  	s10 =	smul.u32 $0x27100, s6;
	s7 =	ssub.s32 s7, s9;
	s6 =	sshll.u32 s6, $0xB  }
0xc: {  	s25 =	sshrl.u32 s23, $0x3;
	s26 =	sadd.s32 s11, s12;
	s2 =	sadd.s32 s2, s6  }
0xd: {  	[dreg:$0x7] =	wrdreg s2;
	s2 =	sadd.s32 s4, s25;
	s4 =	sadd.s32 s4, s26  }
0xe: {  	s8 =	sshrl.u32 s8, $0x3;
	[dreg:$0x8] =	wrdreg s4;
	s2 =	sadd.s32 $0x27000, s2  }
0xf: {  	s8 =	sadd.s32 s0, s8;
	s4 =	smax.u32 s7, $0x1;
	[dreg:$0x9] =	wrdreg s2  }
0x10: {  	s22 =	sadd.s32 $0x500, s8;
	s8 =	sadd.s32 $0xA00, s8;
	[dreg:$0xa] =	wrdreg s4  }
0x11: {  	[dreg:$0x6] =	wrdreg s8;
	s8 =	sadd.s32 s24, s1  }
0x12: {  	[dreg:$0x5] =	wrdreg s22;
	s6 =	sadd.s32 $0x800, s8  }
0x13: {  	s7 =	sadd.s32 $0x1000, s8;
	[dreg:$0xb] =	wrdreg s6  }
0x14: {  	s14 =	sadd.s32 s0, s10;
	s10 =	sadd.s32 $0x1800, s8;
	[dreg:$0xc] =	wrdreg s7  }
0x15: {  	s11 =	sadd.s32 $0x2000, s8;
	[dreg:$0xd] =	wrdreg s10  }
0x16: {  	s12 =	sadd.s32 $0x2800, s8;
	[dreg:$0xe] =	wrdreg s11  }
0x17: {  	s16 =	sadd.s32 $0x3000, s8;
	[dreg:$0xf] =	wrdreg s12  }
0x18: {  	s17 =	sadd.s32 $0x3800, s8;
	[dreg:$0x10] =	wrdreg s16  }
0x19: {  	s19 =	sadd.s32 $0x4000, s8;
	[dreg:$0x11] =	wrdreg s17  }
0x1a: {  	s20 =	sadd.s32 $0x4800, s8;
	[dreg:$0x12] =	wrdreg s19  }
0x1b: {  	s21 =	sadd.s32 $0x5000, s8;
	[dreg:$0x13] =	wrdreg s20  }
0x1c: {  	s22 =	sadd.s32 $0x5800, s8;
	[dreg:$0x14] =	wrdreg s21  }
0x1d: {  	s23 =	sadd.s32 $0x6000, s8;
	[dreg:$0x15] =	wrdreg s22  }
0x1e: {  	s24 =	sadd.s32 $0x6800, s8;
	[dreg:$0x16] =	wrdreg s23  }
0x1f: {  	s25 =	sadd.s32 $0x7000, s8;
	[dreg:$0x17] =	wrdreg s24  }
0x20: {  	s26 =	sadd.s32 $0x7800, s8;
	[dreg:$0x18] =	wrdreg s25  }
0x21: {  	s2 =	sadd.s32 $0x8000, s8;
	[dreg:$0x19] =	wrdreg s26  }
0x22: {  	s18 =	smul.u32 $0x27100, s13;
	s4 =	sadd.s32 $0x8800, s8;
	[dreg:$0x1a] =	wrdreg s2  }
0x23: {  	s15 =	smul.u32 $0x271000, s5;
	s5 =	sadd.s32 $0x9000, s8;
	[dreg:$0x1b] =	wrdreg s4  }
0x24: {  	p0 =	sne.s32 s13, $0xF;
	s13 =	sadd.s32 $0xC000, s8;
	[dreg:$0x1c] =	wrdreg s5  }
0x25: {  	s0 =	sadd.s32 s15, s0;
	s15 =	sadd.s32 $0xC800, s8;
	[smem:$0x7F2] =	sst s13  }
0x26: {  	s6 =	sadd.s32 $0x9800, s8;
	[smem:$0x7F3] =	sst s15  }
0x27: {  	s7 =	sadd.s32 $0xA000, s8;
	[dreg:$0x1d] =	wrdreg s6  }
0x28: {  	s29 =	simm.s32 $0x4000;
	s10 =	sadd.s32 $0xA800, s8;
	[dreg:$0x1e] =	wrdreg s7  }
0x29: {  	s30 =	simm.s32 $0x6800;
	s11 =	sadd.s32 $0xB000, s8;
	[dreg:$0x1f] =	wrdreg s10  }
0x2a: {  	s31 =	simm.s32 $0x9000;
	s12 =	sadd.s32 $0xB800, s8;
	[smem:$0x7F0] =	sst s11  }
0x2b: {  	s9 =	sadd.s32 $0x138000, s1;
	s16 =	sadd.s32 $0xD000, s8;
	[smem:$0x7F1] =	sst s12  }
0x2c: {  	s28 =	sadd.s32 $0x26C00, s14;
	s17 =	sadd.s32 $0xD800, s8;
	[smem:$0x7F4] =	sst s16  }
0x2d: {  	s0 =	sadd.s32 s18, s0;
	s19 =	sadd.s32 $0xE000, s8;
	[smem:$0x7F5] =	sst s17  }
0x2e: {  	s18 =	sadd.s32 $0x1900, s0;
	s20 =	sadd.s32 $0xE800, s8;
	[smem:$0x7F6] =	sst s19  }
0x2f: {  	s0 =	simm.s32 $0xB800;
	s21 =	sadd.s32 $0xF000, s8;
	[smem:$0x7F7] =	sst s20  }
0x30: {  	s22 =	sadd.s32 $0xF800, s8;
	s23 =	sadd.s32 $0x10000, s8;
	[smem:$0x7F8] =	sst s21  }
0x31: {  	s24 =	sadd.s32 $0x10800, s8;
	s25 =	sadd.s32 $0x11000, s8;
	[smem:$0x7F9] =	sst s22  }
0x32: {  	s26 =	sadd.s32 $0x11800, s8;
	s2 =	simm.s32 $0x7;
	[smem:$0x7FA] =	sst s23  }
0x33: {  	s5 =	simm.s32 $0x8;
	s13 =	simm.s32 $0x5;
	[smem:$0x7FB] =	sst s24  }
0x34: {  	s15 =	simm.s32 $0x9;
	s4 =	simm.s32 $0x0;
	[smem:$0x7FC] =	sst s25  }
0x35: {  	[smem:$0x7FD] =	sst s26;
	s22 =	sadd.s32 $0x12000, s8;
	s23 =	sadd.s32 $0x12800, s8  }
0x36: {  	s24 =	sadd.s32 $0x13000, s8;
	s26 =	sadd.s32 $0x26700, s14;
	s21 =	smov.u32 s14  }
0x37: {  	s6 =	simm.s32 $0x1;
	s7 =	simm.s32 $0x50;
	s10 =	simm.s32 $0x2  }
0x38: {  	v0 =	vimm.f32 $0.0e+00;
	s11 =	simm.s32 $0x3;
	s12 =	simm.s32 $0x4;
	s14 =	simm.s32 $0x6  }
.LBB2_1:
0x39: {  	[tilespmem:s29], [sflag:$0x1] =	stream.linear.gather [hbm4b:s21+s3], $0x2800, $0x38;
	[tilespmem:$0x1F880] =	vst v63  }
0x3a: {  	s16 =	rddreg [dreg:$0x5]  }
0x3b: {  	[tilespmem:s30], [sflag:$0x2] =	stream.linear.gather [hbm4b:s16+s3], $0x2800, $0x38;
	[tilespmem:$0x1F880] =	vst v63  }
0x3c: {  	s20 =	rddreg [dreg:$0x6]  }
0x3d: {  	[tilespmem:s31], [sflag:$0x3] =	stream.linear.gather [hbm4b:s20+s3], $0x2800, $0x38;
	[tilespmem:$0x1F880] =	vst v63  }
0x3e: {  	s25 =	rddreg [dreg:$0x7];
	s17 =	simm.s32 $0x200;
	s16 =	simm.s32 $0x0  }
0x3f: {  	[tilespmem:s3], [sflag:$0x8] =	stream.linear.gather [hbm4b:s25+s3], $0x3E80, $0x38;
	[tilespmem:$0x1F880] =	vst v63  }
.LBB2_2:
0x40: {  	p1 =	sne.s32 s17, $0x1E00;
	[tilespmem:s16+$0xB870] =	vst v0  }
0x41: {  	[tilespmem:s16+$0xB800] =	vst v0  }
0x42: {  	[tilespmem:s16+$0xB810] =	vst v0  }
.Ltmp0:
0x43: {  	[tilespmem:s16+$0xB820] =	vst v0;
	(pc) =	sbr.rel @p1 .LBB2_2-.Ltmp0, $4  }
0x44: {  	[tilespmem:s16+$0xB830] =	vst v0  }
0x45: {  	[tilespmem:s16+$0xB840] =	vst v0  }
0x46: {  	[tilespmem:s16+$0xB850] =	vst v0  }
0x47: {  	[tilespmem:s16+$0xB860] =	vst v0;
	s16 =	sshra.s32 s17, $0x2;
	s17 =	sadd.s32 $0x200, s17  }
0x48: {  	[tilespmem:s16+$0xB870] =	vst v0  }
0x49: {  	[tilespmem:s16+$0xB800] =	vst v0  }
0x4a: {  	[tilespmem:s16+$0xB810] =	vst v0  }
0x4b: {  	[tilespmem:s16+$0xB820] =	vst v0  }
0x4c: {  	[tilespmem:s16+$0xB830] =	vst v0  }
0x4d: {  	[tilespmem:s16+$0xB840] =	vst v0  }
0x4e: {  	[tilespmem:s16+$0xB850] =	vst v0  }
0x4f: {  	[tilespmem:s16+$0xB860] =	vst v0;
	s19 =	rddreg [dreg:$0xb]  }
0x50: {  	[spmem:s8] =	stream.linear.scatter [tilespmem:s0], [sflag:$0x7], $0x800, $0x38;
	[tilespmem:$0x1F880] =	vst v63  }
0x51: {  	s20 =	rddreg [dreg:$0xc]  }
0x52: {  	[spmem:s19] =	stream.linear.scatter [tilespmem:s0], [sflag:$0x7], $0x800, $0x38;
	[tilespmem:$0x1F880] =	vst v63  }
0x53: {  	s25 =	rddreg [dreg:$0xd]  }
0x54: {  	[spmem:s20] =	stream.linear.scatter [tilespmem:s0], [sflag:$0x7], $0x800, $0x38;
	[tilespmem:$0x1F880] =	vst v63  }
0x55: {  	s17 =	rddreg [dreg:$0xe]  }
0x56: {  	[spmem:s25] =	stream.linear.scatter [tilespmem:s0], [sflag:$0x7], $0x800, $0x38;
	[tilespmem:$0x1F880] =	vst v63  }
0x57: {  	s19 =	rddreg [dreg:$0xf]  }
0x58: {  	[spmem:s17] =	stream.linear.scatter [tilespmem:s0], [sflag:$0x7], $0x800, $0x38;
	[tilespmem:$0x1F880] =	vst v63  }
0x59: {  	s20 =	rddreg [dreg:$0x10]  }
0x5a: {  	[spmem:s19] =	stream.linear.scatter [tilespmem:s0], [sflag:$0x7], $0x800, $0x38;
	[tilespmem:$0x1F880] =	vst v63  }
0x5b: {  	s25 =	rddreg [dreg:$0x11]  }
0x5c: {  	[spmem:s20] =	stream.linear.scatter [tilespmem:s0], [sflag:$0x7], $0x800, $0x38;
	[tilespmem:$0x1F880] =	vst v63  }
0x5d: {  	s17 =	rddreg [dreg:$0x12]  }
0x5e: {  	[spmem:s25] =	stream.linear.scatter [tilespmem:s0], [sflag:$0x7], $0x800, $0x38;
	[tilespmem:$0x1F880] =	vst v63  }
0x5f: {  	s19 =	rddreg [dreg:$0x13]  }
0x60: {  	[spmem:s17] =	stream.linear.scatter [tilespmem:s0], [sflag:$0x7], $0x800, $0x38;
	[tilespmem:$0x1F880] =	vst v63  }
0x61: {  	s20 =	rddreg [dreg:$0x14]  }
0x62: {  	[spmem:s19] =	stream.linear.scatter [tilespmem:s0], [sflag:$0x7], $0x800, $0x38;
	[tilespmem:$0x1F880] =	vst v63  }
0x63: {  	s25 =	rddreg [dreg:$0x15]  }
0x64: {  	[spmem:s20] =	stream.linear.scatter [tilespmem:s0], [sflag:$0x7], $0x800, $0x38;
	[tilespmem:$0x1F880] =	vst v63  }
0x65: {  	s17 =	rddreg [dreg:$0x16]  }
0x66: {  	[spmem:s25] =	stream.linear.scatter [tilespmem:s0], [sflag:$0x7], $0x800, $0x38;
	[tilespmem:$0x1F880] =	vst v63  }
0x67: {  	s19 =	rddreg [dreg:$0x17]  }
0x68: {  	[spmem:s17] =	stream.linear.scatter [tilespmem:s0], [sflag:$0x7], $0x800, $0x38;
	[tilespmem:$0x1F880] =	vst v63  }
0x69: {  	s20 =	rddreg [dreg:$0x18]  }
0x6a: {  	[spmem:s19] =	stream.linear.scatter [tilespmem:s0], [sflag:$0x7], $0x800, $0x38;
	[tilespmem:$0x1F880] =	vst v63  }
0x6b: {  	s25 =	rddreg [dreg:$0x19]  }
0x6c: {  	[spmem:s20] =	stream.linear.scatter [tilespmem:s0], [sflag:$0x7], $0x800, $0x38;
	[tilespmem:$0x1F880] =	vst v63  }
0x6d: {  	s17 =	rddreg [dreg:$0x1a]  }
0x6e: {  	[spmem:s25] =	stream.linear.scatter [tilespmem:s0], [sflag:$0x7], $0x800, $0x38;
	[tilespmem:$0x1F880] =	vst v63  }
0x6f: {  	s19 =	rddreg [dreg:$0x1b]  }
0x70: {  	[spmem:s17] =	stream.linear.scatter [tilespmem:s0], [sflag:$0x7], $0x800, $0x38;
	[tilespmem:$0x1F880] =	vst v63  }
0x71: {  	s20 =	rddreg [dreg:$0x1c]  }
0x72: {  	[spmem:s19] =	stream.linear.scatter [tilespmem:s0], [sflag:$0x7], $0x800, $0x38;
	[tilespmem:$0x1F880] =	vst v63  }
0x73: {  	s25 =	rddreg [dreg:$0x1d]  }
0x74: {  	[spmem:s20] =	stream.linear.scatter [tilespmem:s0], [sflag:$0x7], $0x800, $0x38;
	[tilespmem:$0x1F880] =	vst v63  }
0x75: {  	s17 =	rddreg [dreg:$0x1e]  }
0x76: {  	[spmem:s25] =	stream.linear.scatter [tilespmem:s0], [sflag:$0x7], $0x800, $0x38;
	[tilespmem:$0x1F880] =	vst v63  }
0x77: {  	s19 =	rddreg [dreg:$0x1f]  }
0x78: {  	[spmem:s17] =	stream.linear.scatter [tilespmem:s0], [sflag:$0x7], $0x800, $0x38;
	[tilespmem:$0x1F880] =	vst v63  }
0x79: {  	s20 =	sld [smem:$0x7F0]  }
0x7a: {  	[spmem:s19] =	stream.linear.scatter [tilespmem:s0], [sflag:$0x7], $0x800, $0x38;
	[tilespmem:$0x1F880] =	vst v63  }
0x7b: {  	s25 =	sld [smem:$0x7F1]  }
0x7c: {  	[spmem:s20] =	stream.linear.scatter [tilespmem:s0], [sflag:$0x7], $0x800, $0x38;
	[tilespmem:$0x1F880] =	vst v63  }
0x7d: {  	s17 =	sld [smem:$0x7F2]  }
0x7e: {  	[spmem:s25] =	stream.linear.scatter [tilespmem:s0], [sflag:$0x7], $0x800, $0x38;
	[tilespmem:$0x1F880] =	vst v63  }
0x7f: {  	s19 =	sld [smem:$0x7F3]  }
0x80: {  	[spmem:s17] =	stream.linear.scatter [tilespmem:s0], [sflag:$0x7], $0x800, $0x38;
	[tilespmem:$0x1F880] =	vst v63  }
0x81: {  	s20 =	sld [smem:$0x7F4]  }
0x82: {  	[spmem:s19] =	stream.linear.scatter [tilespmem:s0], [sflag:$0x7], $0x800, $0x38;
	[tilespmem:$0x1F880] =	vst v63  }
0x83: {  	s25 =	sld [smem:$0x7F5]  }
0x84: {  	[spmem:s20] =	stream.linear.scatter [tilespmem:s0], [sflag:$0x7], $0x800, $0x38;
	[tilespmem:$0x1F880] =	vst v63  }
0x85: {  	s17 =	sld [smem:$0x7F6]  }
0x86: {  	[spmem:s25] =	stream.linear.scatter [tilespmem:s0], [sflag:$0x7], $0x800, $0x38;
	[tilespmem:$0x1F880] =	vst v63  }
0x87: {  	s19 =	sld [smem:$0x7F7]  }
0x88: {  	[spmem:s17] =	stream.linear.scatter [tilespmem:s0], [sflag:$0x7], $0x800, $0x38;
	[tilespmem:$0x1F880] =	vst v63  }
0x89: {  	s20 =	sld [smem:$0x7F8]  }
0x8a: {  	[spmem:s19] =	stream.linear.scatter [tilespmem:s0], [sflag:$0x7], $0x800, $0x38;
	[tilespmem:$0x1F880] =	vst v63  }
0x8b: {  	s25 =	sld [smem:$0x7F9]  }
0x8c: {  	[spmem:s20] =	stream.linear.scatter [tilespmem:s0], [sflag:$0x7], $0x800, $0x38;
	[tilespmem:$0x1F880] =	vst v63  }
0x8d: {  	s17 =	sld [smem:$0x7FA]  }
0x8e: {  	[spmem:s25] =	stream.linear.scatter [tilespmem:s0], [sflag:$0x7], $0x800, $0x38;
	[tilespmem:$0x1F880] =	vst v63  }
0x8f: {  	s19 =	sld [smem:$0x7FB]  }
0x90: {  	[spmem:s17] =	stream.linear.scatter [tilespmem:s0], [sflag:$0x7], $0x800, $0x38;
	[tilespmem:$0x1F880] =	vst v63  }
0x91: {  	s20 =	sld [smem:$0x7FC]  }
0x92: {  	[spmem:s19] =	stream.linear.scatter [tilespmem:s0], [sflag:$0x7], $0x800, $0x38;
	[tilespmem:$0x1F880] =	vst v63  }
0x93: {  	s25 =	sld [smem:$0x7FD]  }
0x94: {  	[spmem:s20] =	stream.linear.scatter [tilespmem:s0], [sflag:$0x7], $0x800, $0x38;
	[tilespmem:$0x1F880] =	vst v63  }
0x95: {  	_ = 	snop  }
0x96: {  	[spmem:s25] =	stream.linear.scatter [tilespmem:s0], [sflag:$0x7], $0x800, $0x38;
	[tilespmem:$0x1F880] =	vst v63  }
0x97: {  	_ = 	snop  }
0x98: {  	[spmem:s22] =	stream.linear.scatter [tilespmem:s0], [sflag:$0x7], $0x800, $0x38;
	[tilespmem:$0x1F880] =	vst v63  }
0x99: {  	_ = 	snop  }
0x9a: {  	[spmem:s23] =	stream.linear.scatter [tilespmem:s0], [sflag:$0x7], $0x800, $0x38;
	[tilespmem:$0x1F880] =	vst v63  }
0x9b: {  	_ = 	snop  }
0x9c: {  	[spmem:s24] =	stream.linear.scatter [tilespmem:s0], [sflag:$0x7], $0x800, $0x38;
	[tilespmem:$0x1F880] =	vst v63  }
0x9d: {  	s16 =	simm.s32 @!p0 $0xB800  }
0x9e: {  	[spmem:s9] =	stream.linear.scatter @!p0 [tilespmem:s16], [sflag:$0x7], $0x800, $0x38;
	[tilespmem:$0x1F880] =	vst v63  }
0x9f: {  	_ =	swait.ge [sflag:s2], $0x800  }
0xa0: {  	s16 =	simm.s32 $0x26;
	[sflag:s2] =	ssyncset.done $0x0  }
.LBB2_4:
0xa1: {  	p1 =	sne.s32 s16, $0x1;
	s16 =	sadd.s32 $0xFFFFFFFF, s16;
	[sflag:s2] =	ssyncadd.s32 $0xFFFFF800  }
.Ltmp1:
0xa2: {  	(pc) =	sbr.rel @p1 .LBB2_4-.Ltmp1, $3  }
0xa3: {  	_ =	sdelay $0x1  }
0xa4: {  	_ =	swait.ge [sflag:s2], $0x800  }
0xa5: {  	[sflag:s2] =	ssyncset.done $0x0  }
0xa6: {  	[sflag:s2] =	ssyncadd.s32 $0xFFFFF800;
	s16 =	simm.s32 @!p0 $0x7  }
0xa7: {  	_ =	swait.ge @!p0 [sflag:s16], $0x800  }
0xa8: {  	[sflag:s16] =	ssyncset.done @!p0 $0x0  }
0xa9: {  	[sflag:s16] =	ssyncadd.s32 @!p0 $0xFFFFF800  }
0xaa: {  	_ =	swait.ge [sflag:s5], $0x3E80  }
0xab: {  	[sflag:s5] =	ssyncset.done $0x0  }
0xac: {  	[sflag:s5] =	ssyncadd.s32 $0xFFFFC180  }
0xad: {  	[bflag:$0x0] =	sbarrier.arrive $0xFFFF  }
0xae: {  	_ =	swait.ge [sflag:s6], $0x2800  }
0xaf: {  	[sflag:s6] =	ssyncset.done $0x0  }
0xb0: {  	s25 =	simm.s32 $0x0;
	[sflag:s6] =	ssyncadd.s32 $0xFFFFD800  }
0xb1: {  	[spmem:s1] =	stream.indirect.scatter.add.f32 [tilespmem:s29], [sflag:$0x4], $0x80, s25, s7, $0xb8;
	[tilespmem:$0x1F880] =	vst v63  }
0xb2: {  	_ =	swait.ge [sflag:s10], $0x2800  }
0xb3: {  	[sflag:s10] =	ssyncset.done $0x0  }
0xb4: {  	s17 =	simm.s32 $0x80;
	[sflag:s10] =	ssyncadd.s32 $0xFFFFD800  }
0xb5: {  	[spmem:s1] =	stream.indirect.scatter.add.f32 [tilespmem:s30], [sflag:$0x5], $0x80, s17, s7, $0xb8;
	[tilespmem:$0x1F880] =	vst v63  }
0xb6: {  	_ =	swait.ge [sflag:s11], $0x2800  }
0xb7: {  	[sflag:s11] =	ssyncset.done $0x0  }
0xb8: {  	s19 =	simm.s32 $0x100;
	[sflag:s11] =	ssyncadd.s32 $0xFFFFD800  }
0xb9: {  	[spmem:s1] =	stream.indirect.scatter.add.f32 [tilespmem:s31], [sflag:$0x6], $0x80, s19, s7, $0xb8;
	[tilespmem:$0x1F880] =	vst v63  }
0xba: {  	_ =	swait.ge [sflag:s12], $0x2800  }
0xbb: {  	[sflag:s12] =	ssyncset.done $0x0  }
0xbc: {  	s20 =	sadd.s32 $0xFFFFF600, s18;
	[sflag:s12] =	ssyncadd.s32 $0xFFFFD800  }
0xbd: {  	[tilespmem:s29], [sflag:$0x1] =	stream.linear.gather [hbm4b:s20+s3], $0x2800, $0x38;
	[tilespmem:$0x1F880] =	vst v63  }
0xbe: {  	_ =	swait.ge [sflag:s13], $0x2800  }
0xbf: {  	[sflag:s13] =	ssyncset.done $0x0  }
0xc0: {  	s25 =	sadd.s32 $0xFFFFFB00, s18;
	[sflag:s13] =	ssyncadd.s32 $0xFFFFD800  }
0xc1: {  	[tilespmem:s30], [sflag:$0x2] =	stream.linear.gather [hbm4b:s25+s3], $0x2800, $0x38;
	[tilespmem:$0x1F880] =	vst v63  }
0xc2: {  	_ =	swait.ge [sflag:s14], $0x2800  }
0xc3: {  	s16 =	simm.s32 $0x600;
	[sflag:s14] =	ssyncset.done $0x0  }
0xc4: {  	s17 =	sadd.s32 $0xF00, s18;
	s25 =	smov.u32 s18;
	[sflag:s14] =	ssyncadd.s32 $0xFFFFD800  }
.LBB2_6:
0xc5: {  	[tilespmem:s31], [sflag:$0x3] =	stream.linear.gather [hbm4b:s25+s3], $0x2800, $0x38;
	[tilespmem:$0x1F880] =	vst v63  }
0xc6: {  	s19 =	smov.u32 s16;
	s25 =	smov.u32 s17  }
0xc7: {  	p1 =	sne.s32 s16, $0xEA00;
	s16 =	sadd.s32 $0x600, s16;
	_ =	swait.ge [sflag:s6], $0x2800  }
0xc8: {  	[sflag:s6] =	ssyncset.done $0x0  }
0xc9: {  	s19 =	sshra.s32 s19, $0x2;
	[sflag:s6] =	ssyncadd.s32 $0xFFFFD800  }
0xca: {  	[spmem:s1] =	stream.indirect.scatter.add.f32 [tilespmem:s29], [sflag:$0x4], $0x80, s19, s7, $0xb8;
	[tilespmem:$0x1F880] =	vst v63  }
0xcb: {  	_ =	swait.ge [sflag:s10], $0x2800  }
0xcc: {  	[sflag:s10] =	ssyncset.done $0x0  }
0xcd: {  	s20 =	sadd.s32 $0x80, s19;
	[sflag:s10] =	ssyncadd.s32 $0xFFFFD800  }
0xce: {  	[spmem:s1] =	stream.indirect.scatter.add.f32 [tilespmem:s30], [sflag:$0x5], $0x80, s20, s7, $0xb8;
	[tilespmem:$0x1F880] =	vst v63  }
0xcf: {  	_ =	swait.ge [sflag:s11], $0x2800  }
0xd0: {  	[sflag:s11] =	ssyncset.done $0x0  }
0xd1: {  	s19 =	sadd.s32 $0x100, s19;
	[sflag:s11] =	ssyncadd.s32 $0xFFFFD800  }
0xd2: {  	[spmem:s1] =	stream.indirect.scatter.add.f32 [tilespmem:s31], [sflag:$0x6], $0x80, s19, s7, $0xb8;
	[tilespmem:$0x1F880] =	vst v63  }
0xd3: {  	_ =	swait.ge [sflag:s12], $0x2800  }
0xd4: {  	[sflag:s12] =	ssyncset.done $0x0  }
0xd5: {  	s19 =	sadd.s32 $0xFFFFF600, s17;
	[sflag:s12] =	ssyncadd.s32 $0xFFFFD800  }
0xd6: {  	[tilespmem:s29], [sflag:$0x1] =	stream.linear.gather [hbm4b:s19+s3], $0x2800, $0x38;
	[tilespmem:$0x1F880] =	vst v63  }
0xd7: {  	_ =	swait.ge [sflag:s13], $0x2800  }
0xd8: {  	[sflag:s13] =	ssyncset.done $0x0  }
.Ltmp2:
0xd9: {  	s19 =	sadd.s32 $0xFFFFFB00, s17;
	[sflag:s13] =	ssyncadd.s32 $0xFFFFD800;
	(pc) =	sbr.rel @p1 .LBB2_6-.Ltmp2, $4  }
0xda: {  	[tilespmem:s30], [sflag:$0x2] =	stream.linear.gather [hbm4b:s19+s3], $0x2800, $0x38;
	[tilespmem:$0x1F880] =	vst v63  }
0xdb: {  	_ =	swait.ge [sflag:s14], $0x2800  }
0xdc: {  	[sflag:s14] =	ssyncset.done $0x0  }
0xdd: {  	s17 =	sadd.s32 $0xF00, s17;
	[sflag:s14] =	ssyncadd.s32 $0xFFFFD800  }
0xde: {  	[tilespmem:s31], [sflag:$0x3] =	stream.linear.gather [hbm4b:s25+s3], $0x2800, $0x38;
	[tilespmem:$0x1F880] =	vst v63  }
0xdf: {  	_ =	swait.ge [sflag:s6], $0x2800  }
0xe0: {  	[sflag:s6] =	ssyncset.done $0x0  }
0xe1: {  	s16 =	simm.s32 $0x3C00;
	[sflag:s6] =	ssyncadd.s32 $0xFFFFD800  }
0xe2: {  	[spmem:s1] =	stream.indirect.scatter.add.f32 [tilespmem:s29], [sflag:$0x4], $0x80, s16, s7, $0xb8;
	[tilespmem:$0x1F880] =	vst v63  }
0xe3: {  	_ =	swait.ge [sflag:s10], $0x2800  }
0xe4: {  	[sflag:s10] =	ssyncset.done $0x0  }
0xe5: {  	s20 =	simm.s32 $0x3C80;
	[sflag:s10] =	ssyncadd.s32 $0xFFFFD800  }
0xe6: {  	[spmem:s1] =	stream.indirect.scatter.add.f32 [tilespmem:s30], [sflag:$0x5], $0x80, s20, s7, $0xb8;
	[tilespmem:$0x1F880] =	vst v63  }
0xe7: {  	_ =	swait.ge [sflag:s11], $0x2800  }
0xe8: {  	[sflag:s11] =	ssyncset.done $0x0  }
0xe9: {  	s25 =	simm.s32 $0x3D00;
	[sflag:s11] =	ssyncadd.s32 $0xFFFFD800  }
0xea: {  	[spmem:s1] =	stream.indirect.scatter.add.f32 [tilespmem:s31], [sflag:$0x6], $0x80, s25, s7, $0xb8;
	[tilespmem:$0x1F880] =	vst v63  }
0xeb: {  	_ =	swait.ge [sflag:s12], $0x2800  }
0xec: {  	[sflag:s12] =	ssyncset.done $0x0  }
0xed: {  	[sflag:s12] =	ssyncadd.s32 $0xFFFFD800  }
0xee: {  	[tilespmem:s29], [sflag:$0x1] =	stream.linear.gather [hbm4b:s26+s3], $0x2800, $0x38;
	[tilespmem:$0x1F880] =	vst v63  }
0xef: {  	_ =	swait.ge [sflag:s13], $0x2800  }
0xf0: {  	[sflag:s13] =	ssyncset.done $0x0  }
0xf1: {  	[sflag:s13] =	ssyncadd.s32 $0xFFFFD800  }
0xf2: {  	[tilespmem:s30], [sflag:$0x2] =	stream.linear.gather [hbm4b:s28+s3], $0x2800, $0x38;
	[tilespmem:$0x1F880] =	vst v63  }
0xf3: {  	_ =	swait.ge [sflag:s14], $0x2800  }
0xf4: {  	[sflag:s14] =	ssyncset.done $0x0  }
0xf5: {  	[sflag:s14] =	ssyncadd.s32 $0xFFFFD800  }
0xf6: {  	_ =	swait.ge [sflag:s6], $0x2800  }
0xf7: {  	[sflag:s6] =	ssyncset.done $0x0  }
0xf8: {  	s17 =	simm.s32 $0x3D80;
	[sflag:s6] =	ssyncadd.s32 $0xFFFFD800  }
0xf9: {  	[spmem:s1] =	stream.indirect.scatter.add.f32 [tilespmem:s29], [sflag:$0x4], $0x80, s17, s7, $0xb8;
	[tilespmem:$0x1F880] =	vst v63  }
0xfa: {  	_ =	swait.ge [sflag:s10], $0x2800  }
0xfb: {  	[sflag:s10] =	ssyncset.done $0x0  }
0xfc: {  	s19 =	simm.s32 $0x3E00;
	[sflag:s10] =	ssyncadd.s32 $0xFFFFD800  }
0xfd: {  	[spmem:s1] =	stream.indirect.scatter.add.f32 [tilespmem:s30], [sflag:$0x5], $0x80, s19, s7, $0xb8;
	[tilespmem:$0x1F880] =	vst v63  }
0xfe: {  	_ =	swait.ge [sflag:s12], $0x2800  }
0xff: {  	[sflag:s12] =	ssyncset.done $0x0  }
0x100: {  	[sflag:s12] =	ssyncadd.s32 $0xFFFFD800  }
0x101: {  	_ =	swait.ge [sflag:s13], $0x2800  }
0x102: {  	[sflag:s13] =	ssyncset.done $0x0  }
0x103: {  	s20 =	stileid.u32;
	[sflag:s13] =	ssyncadd.s32 $0xFFFFD800  }
0x104: {  	s16 =	sshll.u32 s20, $0x6;
	[bflag:$0x0] =	sbarrier.arrive $0xFFFF  }
0x105: {  	s16 =	sor.u32 $0x1C09, s16;
	s17 =	sshrl.u32 s8, $0x3;
	s19 =	rddreg [dreg:$0x8]  }
0x106: {  	[hbm:s19], [sflag:s16] =	dma.local [spmem:s17], $0x2700  }
0x107: {  	_ =	swait.ge [sflag:s15], $0x2700  }
0x108: {  	[sflag:s15] =	ssyncset.done $0x0  }
0x109: {  	s17 =	sshrl.u32 @!p0 s9, $0x3;
	s19 =	rddreg [dreg:$0x9];
	[sflag:s15] =	ssyncadd.s32 $0xFFFFD900  }
0x10a: {  	[hbm:s19], [sflag:s16] =	dma.local @!p0 [spmem:s17], $0x100  }
0x10b: {  	s16 =	simm.s32 @!p0 $0x9  }
0x10c: {  	_ =	swait.ge @!p0 [sflag:s16], $0x100  }
0x10d: {  	s4 =	sadd.s32 $0x1, s4;
	s25 =	rddreg [dreg:$0xa]  }
0x10e: {  	p1 =	sne.s32 s4, s25  }
.Ltmp3:
0x10f: {  	_ = 	snop;
	(pc) =	sbr.rel @p1 .LBB2_1-.Ltmp3, $3  }
0x110: {  	_ =	sdelay $0x1  }
0x111: {  	[sflag:s16] =	ssyncset.done @!p0 $0x0  }
0x112: {  	[sflag:s16] =	ssyncadd.s32 @!p0 $0xFFFFFF00  }
0x113: {  	_ =	sfence.sel $0x180000  }
0x114: {  	[bflag:$0x0] =	sbarrier.arrive $0xFFFF  }
0x115: {  	_ =	strace $0x90000047  }
0x116: {  	s0 =	stileid.u32;
	[bflag:$0x2] =	sbarrier.arrive $0xFFFF  }
0x117: {  	p0 =	sne.s32 s0, $0x0;
	s0 =	rddreg [dreg:$0x4]  }
0x118: {  	s0 =	sadd.s32 @!p0 $0x100000, s0  }
0x119: {  	[sflag:s0] =	ssyncadd.tile.s32 @!p0 $0x1;
	_ =	shalt  }
.Lfunc_end2:
_tile_overlayer_lowered:
.L_overlay_start_2:
0x11a: {  	(tag) =	ssettag $0x2  }
0x11b: {  	s0 =	rddreg [dreg:$0x0];
	s2 =	stileid.u32  }
0x11c: {  	s1 =	rddreg [dreg:$0x1];
	p0 =	sne.s32 s2, $0x0  }
0x11d: {  	s3 =	rddreg [dreg:$0x2];
	[bflag:$0x3] =	sbarrier.arrive $0xFFFF;
	s2 =	simm.s32 @!p0 $0x1C09  }
0x11e: {  	[timem:s3], [sflag:s2] =	dma.local @!p0 [hbm:s0], s1  }
0x11f: {  	s0 =	simm.s32 @!p0 $0x9  }
0x120: {  	_ =	swait.ge @!p0 [sflag:s0], s1  }
0x121: {  	s1 =	ssub.s32 @!p0 $0x0, s1;
	[sflag:s0] =	ssyncset.done @!p0 $0x0  }
0x122: {  	[sflag:s0] =	ssyncadd.s32 @!p0 s1  }
0x123: {  	[bflag:$0x3] =	sbarrier.arrive $0xFFFF  }
0x124: {  	_ =	shalt  }

</sc_bundles>
